<compile_context>
chip_gen: v7x
topology: tpu7x:2x2x1
jax: 0.10.2.dev20260603
libtpu: 0.0.44.dev20260713+nightly
codegen_flags: <defaults>
</compile_context>

<pallas_src>
import functools

import jax
import jax.numpy as jnp
from jax import lax
from jax.experimental import pallas as pl
from jax.experimental.pallas import tpu as pltpu
from jax.experimental.pallas import tpu_sc as plsc

B, S, D = 4, 8192, 1024
L = 16
CLS = 101
BIG = 2**30

_mesh = plsc.VectorSubcoreMesh(core_axis_name="c", subcore_axis_name="s", num_cores=1)


@functools.partial(
    pl.kernel,
    out_type=jax.ShapeDtypeStruct((B, D), jnp.float32),
    mesh=_mesh,
    scratch_types=[
        pltpu.VMEM((S,), jnp.int32),
        pltpu.VMEM((D,), jnp.float32),
        pltpu.VMEM((D,), jnp.float32),
    ],
)
def _cls_pool(ids_hbm, hs_hbm, out_hbm, ids_v, row_v, out_v):
    cid = lax.axis_index("c")
    sid = lax.axis_index("s")
    wid = sid + cid * 16

    @pl.when(wid < B)
    def _():
        b = wid
        pltpu.sync_copy(ids_hbm.at[b], ids_v)

        iota = lax.iota(jnp.int32, L)
        U = 4

        def step(i, ms):
            base = i * (U * L)
            out = []
            for u in range(U):
                v = ids_v[pl.ds(base + u * L, L)]
                cand = jnp.where(v == CLS, base + u * L + iota, BIG)
                out.append(jnp.minimum(ms[u], cand))
            return tuple(out)

        init = tuple(jnp.full((L,), BIG, jnp.int32) for _ in range(U))
        ms = lax.fori_loop(0, S // (U * L), step, init)
        m = ms[0]
        for u in range(1, U):
            m = jnp.minimum(m, ms[u])
        pos = m[0]
        for lane in range(1, L):
            pos = jnp.minimum(pos, m[lane])
        found = pos < BIG
        row = b * S + jnp.minimum(pos, S - 1)

        pltpu.sync_copy(hs_hbm.at[row], row_v)

        scale = jnp.where(found, jnp.float32(1.0), jnp.float32(0.0))
        for j in range(D // L):
            out_v[pl.ds(j * L, L)] = row_v[pl.ds(j * L, L)] * scale

        pltpu.sync_copy(out_v, out_hbm.at[b])


@jax.jit
def kernel(hidden_states, input_ids):
    ids = input_ids.astype(jnp.int32)
    hs = hidden_states.reshape(B * S, D)
    return _cls_pool(ids, hs)

# --- scband reference (transcript-rebuilt; emitter-appended) ---
"""Pipeline reference for scband-dynamic-clspooling-17755394801697 (READ-ONLY COPY).

The authoritative reference and input builder live on the scoring server;
editing this copy changes nothing except your own understanding.
"""

import jax, jax.numpy as jnp
import numpy as np

CLS_TOKEN_ID = 101

def setup_inputs(seed: int = 0) -> dict:
    key = jax.random.key(seed)
    k1, k2 = jax.random.split(key)
    hidden_states = jax.random.normal(k1, (4, 8192, 1024), dtype=jnp.float32)
    # vocab capped at 1000 so CLS id 101 appears with overwhelming probability per row
    input_ids = jax.random.randint(k2, (4, 8192), 0, 1000, dtype=jnp.int64)
    return {"hidden_states": hidden_states, "input_ids": input_ids}

def reference(hidden_states, input_ids):
    # Faithful translation: for each batch row, find the FIRST position where
    # input_ids == cls_token_id and extract that hidden state; rows with no CLS
    # token get zeros (matching the torch loop with zero-initialized output).
    mask = (input_ids == CLS_TOKEN_ID)                      # (B, S) bool
    first_idx = jnp.argmax(mask, axis=1)                    # first True (0 if none)
    has_cls = jnp.any(mask, axis=1)                         # (B,)
    gathered = jnp.take_along_axis(
        hidden_states, first_idx[:, None, None], axis=1
    )[:, 0, :]                                              # (B, D)
    cls_embeddings = jnp.where(has_cls[:, None], gathered, jnp.zeros_like(gathered))
    return cls_embeddings

if __name__ == "__main__":
    import jax
    _d = setup_inputs()
    print(jax.jit(kernel)(*tuple(_d.values())))

</pallas_src>

<mosaic_0001>
#map = affine_map<(d0, d1) -> (0, 0)>
module attributes {stable_mosaic.version = 14 : i64} {
  func.func @_cls_pool(%arg0: i32, %arg1: i32, %arg2: memref<4x8192xi32, #tpu.memory_space<hbm>>, %arg3: memref<32768x1024xf32, #tpu.memory_space<hbm>>, %arg4: memref<4x1024xf32, #tpu.memory_space<hbm>>, %arg5: memref<8192xi32, #tpu.memory_space<vmem>>, %arg6: memref<1024xf32, #tpu.memory_space<vmem>>, %arg7: memref<1024xf32, #tpu.memory_space<vmem>>) attributes {dimension_semantics = [#tpu.dimension_semantics<core_parallel>, #tpu.dimension_semantics<subcore_parallel>], iteration_bounds = array<i64: 1, 16>, scalar_prefetch = 0 : i64, scratch_operands = 3 : i64, tpu.core_type = #tpu.core_type<sc_vector_subcore>, window_params = [{transform_indices = #map}, {transform_indices = #map}, {transform_indices = #map}]} {
    %mul3A = arith.constant 16 : i32
    %mul3A_0 = arith.muli %arg0, %mul3A : i32
    %add3A = arith.addi %arg1, %mul3A_0 : i32
    %lt3A = arith.constant 4 : i32
    %lt3A_1 = arith.cmpi slt, %add3A, %lt3A : i32
    %convert_element_type3A = arith.extui %lt3A_1 : i1 to i32
    %cond3A = arith.constant 0 : i32
    %cond3A_2 = arith.cmpi ne, %convert_element_type3A, %cond3A : i32
    scf.if %cond3A_2 {
      "tpu.region"() ({
        %run_scoped3A = tpu.sem_alloc : memref<!tpu.dma_semaphore, #tpu.memory_space<semaphore_mem>>
        %dma_start3A = arith.constant 0 : i32
        %dma_start3A_644 = tpu.memref_slice %arg2[%add3A, %dma_start3A] : memref<4x8192xi32, #tpu.memory_space<hbm>> -> memref<1x8192xi32, #tpu.memory_space<hbm>>
        %dma_start3A_645 = tpu.memref_squeeze %dma_start3A_644 : memref<1x8192xi32, #tpu.memory_space<hbm>> -> memref<8192xi32, #tpu.memory_space<hbm>>
        %dma_start3A_646 = arith.constant 0 : i32
        %dma_start3A_647 = tpu.memref_slice %arg2[%add3A, %dma_start3A_646] : memref<4x8192xi32, #tpu.memory_space<hbm>> -> memref<1x8192xi32, #tpu.memory_space<hbm>>
        %dma_start3A_648 = tpu.memref_squeeze %dma_start3A_647 : memref<1x8192xi32, #tpu.memory_space<hbm>> -> memref<8192xi32, #tpu.memory_space<hbm>>
        tpu.enqueue_dma source(%dma_start3A_648 : memref<8192xi32, #tpu.memory_space<hbm>>) target(%arg5 : memref<8192xi32, #tpu.memory_space<vmem>>) target_semaphore(%run_scoped3A : memref<!tpu.dma_semaphore, #tpu.memory_space<semaphore_mem>>)
        %dma_wait3A = arith.constant 0 : i32
        %dma_wait3A_649 = tpu.memref_slice %arg2[%add3A, %dma_wait3A] : memref<4x8192xi32, #tpu.memory_space<hbm>> -> memref<1x8192xi32, #tpu.memory_space<hbm>>
        %dma_wait3A_650 = tpu.memref_squeeze %dma_wait3A_649 : memref<1x8192xi32, #tpu.memory_space<hbm>> -> memref<8192xi32, #tpu.memory_space<hbm>>
        %dma_wait3A_651 = arith.constant 0 : i32
        %dma_wait3A_652 = tpu.memref_slice %arg2[%add3A, %dma_wait3A_651] : memref<4x8192xi32, #tpu.memory_space<hbm>> -> memref<1x8192xi32, #tpu.memory_space<hbm>>
        %dma_wait3A_653 = tpu.memref_squeeze %dma_wait3A_652 : memref<1x8192xi32, #tpu.memory_space<hbm>> -> memref<8192xi32, #tpu.memory_space<hbm>>
        tpu.wait_dma2 semaphore(%run_scoped3A : memref<!tpu.dma_semaphore, #tpu.memory_space<semaphore_mem>>) src(%dma_wait3A_653 : memref<8192xi32, #tpu.memory_space<hbm>>) dst(%arg5 : memref<8192xi32, #tpu.memory_space<vmem>>)
        tpu.yield
      }) : () -> ()
      %iota3A = tpu.iota {dimensions = array<i32: 0>} : vector<16xi32>
      %broadcast_in_dim3A = arith.constant 1073741824 : i32
      %broadcast_in_dim3A_3 = vector.broadcast %broadcast_in_dim3A : i32 to vector<16xi32>
      %broadcast_in_dim3A_4 = arith.constant 1073741824 : i32
      %broadcast_in_dim3A_5 = vector.broadcast %broadcast_in_dim3A_4 : i32 to vector<16xi32>
      %broadcast_in_dim3A_6 = arith.constant 1073741824 : i32
      %broadcast_in_dim3A_7 = vector.broadcast %broadcast_in_dim3A_6 : i32 to vector<16xi32>
      %broadcast_in_dim3A_8 = arith.constant 1073741824 : i32
      %broadcast_in_dim3A_9 = vector.broadcast %broadcast_in_dim3A_8 : i32 to vector<16xi32>
      %scan3A = arith.constant 0 : i32
      %scan3A_10 = arith.constant 128 : i32
      %scan3A_11 = arith.addi %scan3A, %scan3A_10 : i32
      %scan3A_12 = arith.constant 1 : i32
      %scan3A_13:4 = scf.for %scan3A_644 = %scan3A to %scan3A_11 step %scan3A_12 iter_args(%scan3A_645 = %broadcast_in_dim3A_3, %scan3A_646 = %broadcast_in_dim3A_5, %scan3A_647 = %broadcast_in_dim3A_7, %scan3A_648 = %broadcast_in_dim3A_9) -> (vector<16xi32>, vector<16xi32>, vector<16xi32>, vector<16xi32>)  : i32 {
        %mul3A_649 = arith.constant 64 : i32
        %mul3A_650 = arith.muli %scan3A_644, %mul3A_649 : i32
        %add3A_651 = arith.constant 0 : i32
        %add3A_652 = arith.addi %mul3A_650, %add3A_651 : i32
        %get3A_653 = arith.index_cast %add3A_652 : i32 to index
        %get3A_654 = tpu.vector_load %arg5[%get3A_653] {strides = array<i32>} : memref<8192xi32, #tpu.memory_space<vmem>>, vector<16xi32>,
        %get3A_655 = vector.shape_cast %get3A_654 : vector<16xi32> to vector<16xi32>
        %eq3A = arith.constant 101 : i32
        %eq3A_656 = vector.broadcast %eq3A : i32 to vector<16xi32>
        %eq3A_657 = arith.cmpi eq, %get3A_655, %eq3A_656 : vector<16xi32>
        %add3A_658 = arith.constant 0 : i32
        %add3A_659 = arith.addi %mul3A_650, %add3A_658 : i32
        %add3A_660 = vector.broadcast %add3A_659 : i32 to vector<16xi32>
        %add3A_661 = arith.addi %add3A_660, %iota3A : vector<16xi32>
        %jit3A_662 = arith.constant 1073741824 : i32
        %broadcast_in_dim3A_663 = vector.broadcast %jit3A_662 : i32 to vector<16xi32>
        %select_n3A_664 = arith.select %eq3A_657, %add3A_661, %broadcast_in_dim3A_663 : vector<16xi1>, vector<16xi32>
        %min3A_665 = arith.minsi %scan3A_645, %select_n3A_664 : vector<16xi32>
        %add3A_666 = arith.constant 16 : i32
        %add3A_667 = arith.addi %mul3A_650, %add3A_666 : i32
        %get3A_668 = arith.index_cast %add3A_667 : i32 to index
        %get3A_669 = tpu.vector_load %arg5[%get3A_668] {strides = array<i32>} : memref<8192xi32, #tpu.memory_space<vmem>>, vector<16xi32>,
        %get3A_670 = vector.shape_cast %get3A_669 : vector<16xi32> to vector<16xi32>
        %eq3A_671 = arith.constant 101 : i32
        %eq3A_672 = vector.broadcast %eq3A_671 : i32 to vector<16xi32>
        %eq3A_673 = arith.cmpi eq, %get3A_670, %eq3A_672 : vector<16xi32>
        %add3A_674 = arith.constant 16 : i32
        %add3A_675 = arith.addi %mul3A_650, %add3A_674 : i32
        %add3A_676 = vector.broadcast %add3A_675 : i32 to vector<16xi32>
        %add3A_677 = arith.addi %add3A_676, %iota3A : vector<16xi32>
        %jit3A_678 = arith.constant 1073741824 : i32
        %broadcast_in_dim3A_679 = vector.broadcast %jit3A_678 : i32 to vector<16xi32>
        %select_n3A_680 = arith.select %eq3A_673, %add3A_677, %broadcast_in_dim3A_679 : vector<16xi1>, vector<16xi32>
        %min3A_681 = arith.minsi %scan3A_646, %select_n3A_680 : vector<16xi32>
        %add3A_682 = arith.constant 32 : i32
        %add3A_683 = arith.addi %mul3A_650, %add3A_682 : i32
        %get3A_684 = arith.index_cast %add3A_683 : i32 to index
        %get3A_685 = tpu.vector_load %arg5[%get3A_684] {strides = array<i32>} : memref<8192xi32, #tpu.memory_space<vmem>>, vector<16xi32>,
        %get3A_686 = vector.shape_cast %get3A_685 : vector<16xi32> to vector<16xi32>
        %eq3A_687 = arith.constant 101 : i32
        %eq3A_688 = vector.broadcast %eq3A_687 : i32 to vector<16xi32>
        %eq3A_689 = arith.cmpi eq, %get3A_686, %eq3A_688 : vector<16xi32>
        %add3A_690 = arith.constant 32 : i32
        %add3A_691 = arith.addi %mul3A_650, %add3A_690 : i32
        %add3A_692 = vector.broadcast %add3A_691 : i32 to vector<16xi32>
        %add3A_693 = arith.addi %add3A_692, %iota3A : vector<16xi32>
        %jit3A_694 = arith.constant 1073741824 : i32
        %broadcast_in_dim3A_695 = vector.broadcast %jit3A_694 : i32 to vector<16xi32>
        %select_n3A_696 = arith.select %eq3A_689, %add3A_693, %broadcast_in_dim3A_695 : vector<16xi1>, vector<16xi32>
        %min3A_697 = arith.minsi %scan3A_647, %select_n3A_696 : vector<16xi32>
        %add3A_698 = arith.constant 48 : i32
        %add3A_699 = arith.addi %mul3A_650, %add3A_698 : i32
        %get3A_700 = arith.index_cast %add3A_699 : i32 to index
        %get3A_701 = tpu.vector_load %arg5[%get3A_700] {strides = array<i32>} : memref<8192xi32, #tpu.memory_space<vmem>>, vector<16xi32>,
        %get3A_702 = vector.shape_cast %get3A_701 : vector<16xi32> to vector<16xi32>
        %eq3A_703 = arith.constant 101 : i32
        %eq3A_704 = vector.broadcast %eq3A_703 : i32 to vector<16xi32>
        %eq3A_705 = arith.cmpi eq, %get3A_702, %eq3A_704 : vector<16xi32>
        %add3A_706 = arith.constant 48 : i32
        %add3A_707 = arith.addi %mul3A_650, %add3A_706 : i32
        %add3A_708 = vector.broadcast %add3A_707 : i32 to vector<16xi32>
        %add3A_709 = arith.addi %add3A_708, %iota3A : vector<16xi32>
        %jit3A_710 = arith.constant 1073741824 : i32
        %broadcast_in_dim3A_711 = vector.broadcast %jit3A_710 : i32 to vector<16xi32>
        %select_n3A_712 = arith.select %eq3A_705, %add3A_709, %broadcast_in_dim3A_711 : vector<16xi1>, vector<16xi32>
        %min3A_713 = arith.minsi %scan3A_648, %select_n3A_712 : vector<16xi32>
        scf.yield %min3A_665, %min3A_681, %min3A_697, %min3A_713 : vector<16xi32>, vector<16xi32>, vector<16xi32>, vector<16xi32>
      }
      %scan3A_14 = arith.constant 128 : i32
      %min3A = arith.minsi %scan3A_13#0, %scan3A_13#1 : vector<16xi32>
      %min3A_15 = arith.minsi %min3A, %scan3A_13#2 : vector<16xi32>
      %min3A_16 = arith.minsi %min3A_15, %scan3A_13#3 : vector<16xi32>
      %slice3A = vector.extract_strided_slice %min3A_16 {offsets = [0], sizes = [1], strides = [1]} : vector<16xi32> to vector<1xi32>
      %squeeze3A = vector.extract %slice3A[0] : i32 from vector<1xi32>
      %slice3A_17 = vector.extract_strided_slice %min3A_16 {offsets = [1], sizes = [1], strides = [1]} : vector<16xi32> to vector<1xi32>
      %squeeze3A_18 = vector.extract %slice3A_17[0] : i32 from vector<1xi32>
      %min3A_19 = arith.minsi %squeeze3A, %squeeze3A_18 : i32
      %slice3A_20 = vector.extract_strided_slice %min3A_16 {offsets = [2], sizes = [1], strides = [1]} : vector<16xi32> to vector<1xi32>
      %squeeze3A_21 = vector.extract %slice3A_20[0] : i32 from vector<1xi32>
      %min3A_22 = arith.minsi %min3A_19, %squeeze3A_21 : i32
      %slice3A_23 = vector.extract_strided_slice %min3A_16 {offsets = [3], sizes = [1], strides = [1]} : vector<16xi32> to vector<1xi32>
      %squeeze3A_24 = vector.extract %slice3A_23[0] : i32 from vector<1xi32>
      %min3A_25 = arith.minsi %min3A_22, %squeeze3A_24 : i32
      %slice3A_26 = vector.extract_strided_slice %min3A_16 {offsets = [4], sizes = [1], strides = [1]} : vector<16xi32> to vector<1xi32>
      %squeeze3A_27 = vector.extract %slice3A_26[0] : i32 from vector<1xi32>
      %min3A_28 = arith.minsi %min3A_25, %squeeze3A_27 : i32
      %slice3A_29 = vector.extract_strided_slice %min3A_16 {offsets = [5], sizes = [1], strides = [1]} : vector<16xi32> to vector<1xi32>
      %squeeze3A_30 = vector.extract %slice3A_29[0] : i32 from vector<1xi32>
      %min3A_31 = arith.minsi %min3A_28, %squeeze3A_30 : i32
      %slice3A_32 = vector.extract_strided_slice %min3A_16 {offsets = [6], sizes = [1], strides = [1]} : vector<16xi32> to vector<1xi32>
      %squeeze3A_33 = vector.extract %slice3A_32[0] : i32 from vector<1xi32>
      %min3A_34 = arith.minsi %min3A_31, %squeeze3A_33 : i32
      %slice3A_35 = vector.extract_strided_slice %min3A_16 {offsets = [7], sizes = [1], strides = [1]} : vector<16xi32> to vector<1xi32>
      %squeeze3A_36 = vector.extract %slice3A_35[0] : i32 from vector<1xi32>
      %min3A_37 = arith.minsi %min3A_34, %squeeze3A_36 : i32
      %slice3A_38 = vector.extract_strided_slice %min3A_16 {offsets = [8], sizes = [1], strides = [1]} : vector<16xi32> to vector<1xi32>
      %squeeze3A_39 = vector.extract %slice3A_38[0] : i32 from vector<1xi32>
      %min3A_40 = arith.minsi %min3A_37, %squeeze3A_39 : i32
      %slice3A_41 = vector.extract_strided_slice %min3A_16 {offsets = [9], sizes = [1], strides = [1]} : vector<16xi32> to vector<1xi32>
      %squeeze3A_42 = vector.extract %slice3A_41[0] : i32 from vector<1xi32>
      %min3A_43 = arith.minsi %min3A_40, %squeeze3A_42 : i32
      %slice3A_44 = vector.extract_strided_slice %min3A_16 {offsets = [10], sizes = [1], strides = [1]} : vector<16xi32> to vector<1xi32>
      %squeeze3A_45 = vector.extract %slice3A_44[0] : i32 from vector<1xi32>
      %min3A_46 = arith.minsi %min3A_43, %squeeze3A_45 : i32
      %slice3A_47 = vector.extract_strided_slice %min3A_16 {offsets = [11], sizes = [1], strides = [1]} : vector<16xi32> to vector<1xi32>
      %squeeze3A_48 = vector.extract %slice3A_47[0] : i32 from vector<1xi32>
      %min3A_49 = arith.minsi %min3A_46, %squeeze3A_48 : i32
      %slice3A_50 = vector.extract_strided_slice %min3A_16 {offsets = [12], sizes = [1], strides = [1]} : vector<16xi32> to vector<1xi32>
      %squeeze3A_51 = vector.extract %slice3A_50[0] : i32 from vector<1xi32>
      %min3A_52 = arith.minsi %min3A_49, %squeeze3A_51 : i32
      %slice3A_53 = vector.extract_strided_slice %min3A_16 {offsets = [13], sizes = [1], strides = [1]} : vector<16xi32> to vector<1xi32>
      %squeeze3A_54 = vector.extract %slice3A_53[0] : i32 from vector<1xi32>
      %min3A_55 = arith.minsi %min3A_52, %squeeze3A_54 : i32
      %slice3A_56 = vector.extract_strided_slice %min3A_16 {offsets = [14], sizes = [1], strides = [1]} : vector<16xi32> to vector<1xi32>
      %squeeze3A_57 = vector.extract %slice3A_56[0] : i32 from vector<1xi32>
      %min3A_58 = arith.minsi %min3A_55, %squeeze3A_57 : i32
      %slice3A_59 = vector.extract_strided_slice %min3A_16 {offsets = [15], sizes = [1], strides = [1]} : vector<16xi32> to vector<1xi32>
      %squeeze3A_60 = vector.extract %slice3A_59[0] : i32 from vector<1xi32>
      %min3A_61 = arith.minsi %min3A_58, %squeeze3A_60 : i32
      %lt3A_62 = arith.constant 1073741824 : i32
      %lt3A_63 = arith.cmpi slt, %min3A_61, %lt3A_62 : i32
      %mul3A_64 = arith.constant 8192 : i32
      %mul3A_65 = arith.muli %add3A, %mul3A_64 : i32
      %min3A_66 = arith.constant 8191 : i32
      %min3A_67 = arith.minsi %min3A_61, %min3A_66 : i32
      %add3A_68 = arith.addi %mul3A_65, %min3A_67 : i32
      "tpu.region"() ({
        %run_scoped3A = tpu.sem_alloc : memref<!tpu.dma_semaphore, #tpu.memory_space<semaphore_mem>>
        %dma_start3A = arith.constant 0 : i32
        %dma_start3A_644 = tpu.memref_slice %arg3[%add3A_68, %dma_start3A] : memref<32768x1024xf32, #tpu.memory_space<hbm>> -> memref<1x1024xf32, #tpu.memory_space<hbm>>
        %dma_start3A_645 = tpu.memref_squeeze %dma_start3A_644 : memref<1x1024xf32, #tpu.memory_space<hbm>> -> memref<1024xf32, #tpu.memory_space<hbm>>
        %dma_start3A_646 = arith.constant 0 : i32
        %dma_start3A_647 = tpu.memref_slice %arg3[%add3A_68, %dma_start3A_646] : memref<32768x1024xf32, #tpu.memory_space<hbm>> -> memref<1x1024xf32, #tpu.memory_space<hbm>>
        %dma_start3A_648 = tpu.memref_squeeze %dma_start3A_647 : memref<1x1024xf32, #tpu.memory_space<hbm>> -> memref<1024xf32, #tpu.memory_space<hbm>>
        tpu.enqueue_dma source(%dma_start3A_648 : memref<1024xf32, #tpu.memory_space<hbm>>) target(%arg6 : memref<1024xf32, #tpu.memory_space<vmem>>) target_semaphore(%run_scoped3A : memref<!tpu.dma_semaphore, #tpu.memory_space<semaphore_mem>>)
        %dma_wait3A = arith.constant 0 : i32
        %dma_wait3A_649 = tpu.memref_slice %arg3[%add3A_68, %dma_wait3A] : memref<32768x1024xf32, #tpu.memory_space<hbm>> -> memref<1x1024xf32, #tpu.memory_space<hbm>>
        %dma_wait3A_650 = tpu.memref_squeeze %dma_wait3A_649 : memref<1x1024xf32, #tpu.memory_space<hbm>> -> memref<1024xf32, #tpu.memory_space<hbm>>
        %dma_wait3A_651 = arith.constant 0 : i32
        %dma_wait3A_652 = tpu.memref_slice %arg3[%add3A_68, %dma_wait3A_651] : memref<32768x1024xf32, #tpu.memory_space<hbm>> -> memref<1x1024xf32, #tpu.memory_space<hbm>>
        %dma_wait3A_653 = tpu.memref_squeeze %dma_wait3A_652 : memref<1x1024xf32, #tpu.memory_space<hbm>> -> memref<1024xf32, #tpu.memory_space<hbm>>
        tpu.wait_dma2 semaphore(%run_scoped3A : memref<!tpu.dma_semaphore, #tpu.memory_space<semaphore_mem>>) src(%dma_wait3A_653 : memref<1024xf32, #tpu.memory_space<hbm>>) dst(%arg6 : memref<1024xf32, #tpu.memory_space<vmem>>)
        tpu.yield
      }) : () -> ()
      %jit3A = arith.constant 1.000000e+00 : f32
      %jit3A_69 = arith.constant 0.000000e+00 : f32
      %select_n3A = arith.select %lt3A_63, %jit3A, %jit3A_69 : f32
      %get3A = arith.constant 0 : index
      %get3A_70 = tpu.vector_load %arg6[%get3A] {strides = array<i32>} : memref<1024xf32, #tpu.memory_space<vmem>>, vector<16xf32>,
      %get3A_71 = vector.shape_cast %get3A_70 : vector<16xf32> to vector<16xf32>
      %mul3A_72 = vector.broadcast %select_n3A : f32 to vector<16xf32>
      %mul3A_73 = arith.mulf %get3A_71, %mul3A_72 : vector<16xf32>
      %swap3A = arith.constant 0 : index
      %swap3A_74 = tpu.vector_load %arg7[%swap3A] {strides = array<i32>} : memref<1024xf32, #tpu.memory_space<vmem>>, vector<16xf32>,
      %swap3A_75 = vector.shape_cast %swap3A_74 : vector<16xf32> to vector<16xf32>
      %swap3A_76 = vector.shape_cast %mul3A_73 : vector<16xf32> to vector<16xf32>
      tpu.vector_store %arg7[%swap3A], %swap3A_76 {strides = array<i32>} : memref<1024xf32, #tpu.memory_space<vmem>>, vector<16xf32>,
      %get3A_77 = arith.constant 16 : index
      %get3A_78 = tpu.vector_load %arg6[%get3A_77] {strides = array<i32>} : memref<1024xf32, #tpu.memory_space<vmem>>, vector<16xf32>,
      %get3A_79 = vector.shape_cast %get3A_78 : vector<16xf32> to vector<16xf32>
      %mul3A_80 = vector.broadcast %select_n3A : f32 to vector<16xf32>
      %mul3A_81 = arith.mulf %get3A_79, %mul3A_80 : vector<16xf32>
      %swap3A_82 = arith.constant 16 : index
      %swap3A_83 = tpu.vector_load %arg7[%swap3A_82] {strides = array<i32>} : memref<1024xf32, #tpu.memory_space<vmem>>, vector<16xf32>,
      %swap3A_84 = vector.shape_cast %swap3A_83 : vector<16xf32> to vector<16xf32>
      %swap3A_85 = vector.shape_cast %mul3A_81 : vector<16xf32> to vector<16xf32>
      tpu.vector_store %arg7[%swap3A_82], %swap3A_85 {strides = array<i32>} : memref<1024xf32, #tpu.memory_space<vmem>>, vector<16xf32>,
      %get3A_86 = arith.constant 32 : index
      %get3A_87 = tpu.vector_load %arg6[%get3A_86] {strides = array<i32>} : memref<1024xf32, #tpu.memory_space<vmem>>, vector<16xf32>,
      %get3A_88 = vector.shape_cast %get3A_87 : vector<16xf32> to vector<16xf32>
      %mul3A_89 = vector.broadcast %select_n3A : f32 to vector<16xf32>
      %mul3A_90 = arith.mulf %get3A_88, %mul3A_89 : vector<16xf32>
      %swap3A_91 = arith.constant 32 : index
      %swap3A_92 = tpu.vector_load %arg7[%swap3A_91] {strides = array<i32>} : memref<1024xf32, #tpu.memory_space<vmem>>, vector<16xf32>,
      %swap3A_93 = vector.shape_cast %swap3A_92 : vector<16xf32> to vector<16xf32>
      %swap3A_94 = vector.shape_cast %mul3A_90 : vector<16xf32> to vector<16xf32>
      tpu.vector_store %arg7[%swap3A_91], %swap3A_94 {strides = array<i32>} : memref<1024xf32, #tpu.memory_space<vmem>>, vector<16xf32>,
      %get3A_95 = arith.constant 48 : index
      %get3A_96 = tpu.vector_load %arg6[%get3A_95] {strides = array<i32>} : memref<1024xf32, #tpu.memory_space<vmem>>, vector<16xf32>,
      %get3A_97 = vector.shape_cast %get3A_96 : vector<16xf32> to vector<16xf32>
      %mul3A_98 = vector.broadcast %select_n3A : f32 to vector<16xf32>
      %mul3A_99 = arith.mulf %get3A_97, %mul3A_98 : vector<16xf32>
      %swap3A_100 = arith.constant 48 : index
      %swap3A_101 = tpu.vector_load %arg7[%swap3A_100] {strides = array<i32>} : memref<1024xf32, #tpu.memory_space<vmem>>, vector<16xf32>,
      %swap3A_102 = vector.shape_cast %swap3A_101 : vector<16xf32> to vector<16xf32>
      %swap3A_103 = vector.shape_cast %mul3A_99 : vector<16xf32> to vector<16xf32>
      tpu.vector_store %arg7[%swap3A_100], %swap3A_103 {strides = array<i32>} : memref<1024xf32, #tpu.memory_space<vmem>>, vector<16xf32>,
      %get3A_104 = arith.constant 64 : index
      %get3A_105 = tpu.vector_load %arg6[%get3A_104] {strides = array<i32>} : memref<1024xf32, #tpu.memory_space<vmem>>, vector<16xf32>,
      %get3A_106 = vector.shape_cast %get3A_105 : vector<16xf32> to vector<16xf32>
      %mul3A_107 = vector.broadcast %select_n3A : f32 to vector<16xf32>
      %mul3A_108 = arith.mulf %get3A_106, %mul3A_107 : vector<16xf32>
      %swap3A_109 = arith.constant 64 : index
      %swap3A_110 = tpu.vector_load %arg7[%swap3A_109] {strides = array<i32>} : memref<1024xf32, #tpu.memory_space<vmem>>, vector<16xf32>,
      %swap3A_111 = vector.shape_cast %swap3A_110 : vector<16xf32> to vector<16xf32>
      %swap3A_112 = vector.shape_cast %mul3A_108 : vector<16xf32> to vector<16xf32>
      tpu.vector_store %arg7[%swap3A_109], %swap3A_112 {strides = array<i32>} : memref<1024xf32, #tpu.memory_space<vmem>>, vector<16xf32>,
      %get3A_113 = arith.constant 80 : index
      %get3A_114 = tpu.vector_load %arg6[%get3A_113] {strides = array<i32>} : memref<1024xf32, #tpu.memory_space<vmem>>, vector<16xf32>,
      %get3A_115 = vector.shape_cast %get3A_114 : vector<16xf32> to vector<16xf32>
      %mul3A_116 = vector.broadcast %select_n3A : f32 to vector<16xf32>
      %mul3A_117 = arith.mulf %get3A_115, %mul3A_116 : vector<16xf32>
      %swap3A_118 = arith.constant 80 : index
      %swap3A_119 = tpu.vector_load %arg7[%swap3A_118] {strides = array<i32>} : memref<1024xf32, #tpu.memory_space<vmem>>, vector<16xf32>,
      %swap3A_120 = vector.shape_cast %swap3A_119 : vector<16xf32> to vector<16xf32>
      %swap3A_121 = vector.shape_cast %mul3A_117 : vector<16xf32> to vector<16xf32>
      tpu.vector_store %arg7[%swap3A_118], %swap3A_121 {strides = array<i32>} : memref<1024xf32, #tpu.memory_space<vmem>>, vector<16xf32>,
      %get3A_122 = arith.constant 96 : index
      %get3A_123 = tpu.vector_load %arg6[%get3A_122] {strides = array<i32>} : memref<1024xf32, #tpu.memory_space<vmem>>, vector<16xf32>,
      %get3A_124 = vector.shape_cast %get3A_123 : vector<16xf32> to vector<16xf32>
      %mul3A_125 = vector.broadcast %select_n3A : f32 to vector<16xf32>
      %mul3A_126 = arith.mulf %get3A_124, %mul3A_125 : vector<16xf32>
      %swap3A_127 = arith.constant 96 : index
      %swap3A_128 = tpu.vector_load %arg7[%swap3A_127] {strides = array<i32>} : memref<1024xf32, #tpu.memory_space<vmem>>, vector<16xf32>,
      %swap3A_129 = vector.shape_cast %swap3A_128 : vector<16xf32> to vector<16xf32>
      %swap3A_130 = vector.shape_cast %mul3A_126 : vector<16xf32> to vector<16xf32>
      tpu.vector_store %arg7[%swap3A_127], %swap3A_130 {strides = array<i32>} : memref<1024xf32, #tpu.memory_space<vmem>>, vector<16xf32>,
      %get3A_131 = arith.constant 112 : index
      %get3A_132 = tpu.vector_load %arg6[%get3A_131] {strides = array<i32>} : memref<1024xf32, #tpu.memory_space<vmem>>, vector<16xf32>,
      %get3A_133 = vector.shape_cast %get3A_132 : vector<16xf32> to vector<16xf32>
      %mul3A_134 = vector.broadcast %select_n3A : f32 to vector<16xf32>
      %mul3A_135 = arith.mulf %get3A_133, %mul3A_134 : vector<16xf32>
      %swap3A_136 = arith.constant 112 : index
      %swap3A_137 = tpu.vector_load %arg7[%swap3A_136] {strides = array<i32>} : memref<1024xf32, #tpu.memory_space<vmem>>, vector<16xf32>,
      %swap3A_138 = vector.shape_cast %swap3A_137 : vector<16xf32> to vector<16xf32>
      %swap3A_139 = vector.shape_cast %mul3A_135 : vector<16xf32> to vector<16xf32>
      tpu.vector_store %arg7[%swap3A_136], %swap3A_139 {strides = array<i32>} : memref<1024xf32, #tpu.memory_space<vmem>>, vector<16xf32>,
      %get3A_140 = arith.constant 128 : index
      %get3A_141 = tpu.vector_load %arg6[%get3A_140] {strides = array<i32>} : memref<1024xf32, #tpu.memory_space<vmem>>, vector<16xf32>,
      %get3A_142 = vector.shape_cast %get3A_141 : vector<16xf32> to vector<16xf32>
      %mul3A_143 = vector.broadcast %select_n3A : f32 to vector<16xf32>
      %mul3A_144 = arith.mulf %get3A_142, %mul3A_143 : vector<16xf32>
      %swap3A_145 = arith.constant 128 : index
      %swap3A_146 = tpu.vector_load %arg7[%swap3A_145] {strides = array<i32>} : memref<1024xf32, #tpu.memory_space<vmem>>, vector<16xf32>,
      %swap3A_147 = vector.shape_cast %swap3A_146 : vector<16xf32> to vector<16xf32>
      %swap3A_148 = vector.shape_cast %mul3A_144 : vector<16xf32> to vector<16xf32>
      tpu.vector_store %arg7[%swap3A_145], %swap3A_148 {strides = array<i32>} : memref<1024xf32, #tpu.memory_space<vmem>>, vector<16xf32>,
      %get3A_149 = arith.constant 144 : index
      %get3A_150 = tpu.vector_load %arg6[%get3A_149] {strides = array<i32>} : memref<1024xf32, #tpu.memory_space<vmem>>, vector<16xf32>,
      %get3A_151 = vector.shape_cast %get3A_150 : vector<16xf32> to vector<16xf32>
      %mul3A_152 = vector.broadcast %select_n3A : f32 to vector<16xf32>
      %mul3A_153 = arith.mulf %get3A_151, %mul3A_152 : vector<16xf32>
      %swap3A_154 = arith.constant 144 : index
      %swap3A_155 = tpu.vector_load %arg7[%swap3A_154] {strides = array<i32>} : memref<1024xf32, #tpu.memory_space<vmem>>, vector<16xf32>,
      %swap3A_156 = vector.shape_cast %swap3A_155 : vector<16xf32> to vector<16xf32>
      %swap3A_157 = vector.shape_cast %mul3A_153 : vector<16xf32> to vector<16xf32>
      tpu.vector_store %arg7[%swap3A_154], %swap3A_157 {strides = array<i32>} : memref<1024xf32, #tpu.memory_space<vmem>>, vector<16xf32>,
      %get3A_158 = arith.constant 160 : index
      %get3A_159 = tpu.vector_load %arg6[%get3A_158] {strides = array<i32>} : memref<1024xf32, #tpu.memory_space<vmem>>, vector<16xf32>,
      %get3A_160 = vector.shape_cast %get3A_159 : vector<16xf32> to vector<16xf32>
      %mul3A_161 = vector.broadcast %select_n3A : f32 to vector<16xf32>
      %mul3A_162 = arith.mulf %get3A_160, %mul3A_161 : vector<16xf32>
      %swap3A_163 = arith.constant 160 : index
      %swap3A_164 = tpu.vector_load %arg7[%swap3A_163] {strides = array<i32>} : memref<1024xf32, #tpu.memory_space<vmem>>, vector<16xf32>,
      %swap3A_165 = vector.shape_cast %swap3A_164 : vector<16xf32> to vector<16xf32>
      %swap3A_166 = vector.shape_cast %mul3A_162 : vector<16xf32> to vector<16xf32>
      tpu.vector_store %arg7[%swap3A_163], %swap3A_166 {strides = array<i32>} : memref<1024xf32, #tpu.memory_space<vmem>>, vector<16xf32>,
      %get3A_167 = arith.constant 176 : index
      %get3A_168 = tpu.vector_load %arg6[%get3A_167] {strides = array<i32>} : memref<1024xf32, #tpu.memory_space<vmem>>, vector<16xf32>,
      %get3A_169 = vector.shape_cast %get3A_168 : vector<16xf32> to vector<16xf32>
      %mul3A_170 = vector.broadcast %select_n3A : f32 to vector<16xf32>
      %mul3A_171 = arith.mulf %get3A_169, %mul3A_170 : vector<16xf32>
      %swap3A_172 = arith.constant 176 : index
      %swap3A_173 = tpu.vector_load %arg7[%swap3A_172] {strides = array<i32>} : memref<1024xf32, #tpu.memory_space<vmem>>, vector<16xf32>,
      %swap3A_174 = vector.shape_cast %swap3A_173 : vector<16xf32> to vector<16xf32>
      %swap3A_175 = vector.shape_cast %mul3A_171 : vector<16xf32> to vector<16xf32>
      tpu.vector_store %arg7[%swap3A_172], %swap3A_175 {strides = array<i32>} : memref<1024xf32, #tpu.memory_space<vmem>>, vector<16xf32>,
      %get3A_176 = arith.constant 192 : index
      %get3A_177 = tpu.vector_load %arg6[%get3A_176] {strides = array<i32>} : memref<1024xf32, #tpu.memory_space<vmem>>, vector<16xf32>,
      %get3A_178 = vector.shape_cast %get3A_177 : vector<16xf32> to vector<16xf32>
      %mul3A_179 = vector.broadcast %select_n3A : f32 to vector<16xf32>
      %mul3A_180 = arith.mulf %get3A_178, %mul3A_179 : vector<16xf32>
      %swap3A_181 = arith.constant 192 : index
      %swap3A_182 = tpu.vector_load %arg7[%swap3A_181] {strides = array<i32>} : memref<1024xf32, #tpu.memory_space<vmem>>, vector<16xf32>,
      %swap3A_183 = vector.shape_cast %swap3A_182 : vector<16xf32> to vector<16xf32>
      %swap3A_184 = vector.shape_cast %mul3A_180 : vector<16xf32> to vector<16xf32>
      tpu.vector_store %arg7[%swap3A_181], %swap3A_184 {strides = array<i32>} : memref<1024xf32, #tpu.memory_space<vmem>>, vector<16xf32>,
      %get3A_185 = arith.constant 208 : index
      %get3A_186 = tpu.vector_load %arg6[%get3A_185] {strides = array<i32>} : memref<1024xf32, #tpu.memory_space<vmem>>, vector<16xf32>,
      %get3A_187 = vector.shape_cast %get3A_186 : vector<16xf32> to vector<16xf32>
      %mul3A_188 = vector.broadcast %select_n3A : f32 to vector<16xf32>
      %mul3A_189 = arith.mulf %get3A_187, %mul3A_188 : vector<16xf32>
      %swap3A_190 = arith.constant 208 : index
      %swap3A_191 = tpu.vector_load %arg7[%swap3A_190] {strides = array<i32>} : memref<1024xf32, #tpu.memory_space<vmem>>, vector<16xf32>,
      %swap3A_192 = vector.shape_cast %swap3A_191 : vector<16xf32> to vector<16xf32>
      %swap3A_193 = vector.shape_cast %mul3A_189 : vector<16xf32> to vector<16xf32>
      tpu.vector_store %arg7[%swap3A_190], %swap3A_193 {strides = array<i32>} : memref<1024xf32, #tpu.memory_space<vmem>>, vector<16xf32>,
      %get3A_194 = arith.constant 224 : index
      %get3A_195 = tpu.vector_load %arg6[%get3A_194] {strides = array<i32>} : memref<1024xf32, #tpu.memory_space<vmem>>, vector<16xf32>,
      %get3A_196 = vector.shape_cast %get3A_195 : vector<16xf32> to vector<16xf32>
      %mul3A_197 = vector.broadcast %select_n3A : f32 to vector<16xf32>
      %mul3A_198 = arith.mulf %get3A_196, %mul3A_197 : vector<16xf32>
      %swap3A_199 = arith.constant 224 : index
      %swap3A_200 = tpu.vector_load %arg7[%swap3A_199] {strides = array<i32>} : memref<1024xf32, #tpu.memory_space<vmem>>, vector<16xf32>,
      %swap3A_201 = vector.shape_cast %swap3A_200 : vector<16xf32> to vector<16xf32>
      %swap3A_202 = vector.shape_cast %mul3A_198 : vector<16xf32> to vector<16xf32>
      tpu.vector_store %arg7[%swap3A_199], %swap3A_202 {strides = array<i32>} : memref<1024xf32, #tpu.memory_space<vmem>>, vector<16xf32>,
      %get3A_203 = arith.constant 240 : index
      %get3A_204 = tpu.vector_load %arg6[%get3A_203] {strides = array<i32>} : memref<1024xf32, #tpu.memory_space<vmem>>, vector<16xf32>,
      %get3A_205 = vector.shape_cast %get3A_204 : vector<16xf32> to vector<16xf32>
      %mul3A_206 = vector.broadcast %select_n3A : f32 to vector<16xf32>
      %mul3A_207 = arith.mulf %get3A_205, %mul3A_206 : vector<16xf32>
      %swap3A_208 = arith.constant 240 : index
      %swap3A_209 = tpu.vector_load %arg7[%swap3A_208] {strides = array<i32>} : memref<1024xf32, #tpu.memory_space<vmem>>, vector<16xf32>,
      %swap3A_210 = vector.shape_cast %swap3A_209 : vector<16xf32> to vector<16xf32>
      %swap3A_211 = vector.shape_cast %mul3A_207 : vector<16xf32> to vector<16xf32>
      tpu.vector_store %arg7[%swap3A_208], %swap3A_211 {strides = array<i32>} : memref<1024xf32, #tpu.memory_space<vmem>>, vector<16xf32>,
      %get3A_212 = arith.constant 256 : index
      %get3A_213 = tpu.vector_load %arg6[%get3A_212] {strides = array<i32>} : memref<1024xf32, #tpu.memory_space<vmem>>, vector<16xf32>,
      %get3A_214 = vector.shape_cast %get3A_213 : vector<16xf32> to vector<16xf32>
      %mul3A_215 = vector.broadcast %select_n3A : f32 to vector<16xf32>
      %mul3A_216 = arith.mulf %get3A_214, %mul3A_215 : vector<16xf32>
      %swap3A_217 = arith.constant 256 : index
      %swap3A_218 = tpu.vector_load %arg7[%swap3A_217] {strides = array<i32>} : memref<1024xf32, #tpu.memory_space<vmem>>, vector<16xf32>,
      %swap3A_219 = vector.shape_cast %swap3A_218 : vector<16xf32> to vector<16xf32>
      %swap3A_220 = vector.shape_cast %mul3A_216 : vector<16xf32> to vector<16xf32>
      tpu.vector_store %arg7[%swap3A_217], %swap3A_220 {strides = array<i32>} : memref<1024xf32, #tpu.memory_space<vmem>>, vector<16xf32>,
      %get3A_221 = arith.constant 272 : index
      %get3A_222 = tpu.vector_load %arg6[%get3A_221] {strides = array<i32>} : memref<1024xf32, #tpu.memory_space<vmem>>, vector<16xf32>,
      %get3A_223 = vector.shape_cast %get3A_222 : vector<16xf32> to vector<16xf32>
      %mul3A_224 = vector.broadcast %select_n3A : f32 to vector<16xf32>
      %mul3A_225 = arith.mulf %get3A_223, %mul3A_224 : vector<16xf32>
      %swap3A_226 = arith.constant 272 : index
      %swap3A_227 = tpu.vector_load %arg7[%swap3A_226] {strides = array<i32>} : memref<1024xf32, #tpu.memory_space<vmem>>, vector<16xf32>,
      %swap3A_228 = vector.shape_cast %swap3A_227 : vector<16xf32> to vector<16xf32>
      %swap3A_229 = vector.shape_cast %mul3A_225 : vector<16xf32> to vector<16xf32>
      tpu.vector_store %arg7[%swap3A_226], %swap3A_229 {strides = array<i32>} : memref<1024xf32, #tpu.memory_space<vmem>>, vector<16xf32>,
      %get3A_230 = arith.constant 288 : index
      %get3A_231 = tpu.vector_load %arg6[%get3A_230] {strides = array<i32>} : memref<1024xf32, #tpu.memory_space<vmem>>, vector<16xf32>,
      %get3A_232 = vector.shape_cast %get3A_231 : vector<16xf32> to vector<16xf32>
      %mul3A_233 = vector.broadcast %select_n3A : f32 to vector<16xf32>
      %mul3A_234 = arith.mulf %get3A_232, %mul3A_233 : vector<16xf32>
      %swap3A_235 = arith.constant 288 : index
      %swap3A_236 = tpu.vector_load %arg7[%swap3A_235] {strides = array<i32>} : memref<1024xf32, #tpu.memory_space<vmem>>, vector<16xf32>,
      %swap3A_237 = vector.shape_cast %swap3A_236 : vector<16xf32> to vector<16xf32>
      %swap3A_238 = vector.shape_cast %mul3A_234 : vector<16xf32> to vector<16xf32>
      tpu.vector_store %arg7[%swap3A_235], %swap3A_238 {strides = array<i32>} : memref<1024xf32, #tpu.memory_space<vmem>>, vector<16xf32>,
      %get3A_239 = arith.constant 304 : index
      %get3A_240 = tpu.vector_load %arg6[%get3A_239] {strides = array<i32>} : memref<1024xf32, #tpu.memory_space<vmem>>, vector<16xf32>,
      %get3A_241 = vector.shape_cast %get3A_240 : vector<16xf32> to vector<16xf32>
      %mul3A_242 = vector.broadcast %select_n3A : f32 to vector<16xf32>
      %mul3A_243 = arith.mulf %get3A_241, %mul3A_242 : vector<16xf32>
      %swap3A_244 = arith.constant 304 : index
      %swap3A_245 = tpu.vector_load %arg7[%swap3A_244] {strides = array<i32>} : memref<1024xf32, #tpu.memory_space<vmem>>, vector<16xf32>,
      %swap3A_246 = vector.shape_cast %swap3A_245 : vector<16xf32> to vector<16xf32>
      %swap3A_247 = vector.shape_cast %mul3A_243 : vector<16xf32> to vector<16xf32>
      tpu.vector_store %arg7[%swap3A_244], %swap3A_247 {strides = array<i32>} : memref<1024xf32, #tpu.memory_space<vmem>>, vector<16xf32>,
      %get3A_248 = arith.constant 320 : index
      %get3A_249 = tpu.vector_load %arg6[%get3A_248] {strides = array<i32>} : memref<1024xf32, #tpu.memory_space<vmem>>, vector<16xf32>,
      %get3A_250 = vector.shape_cast %get3A_249 : vector<16xf32> to vector<16xf32>
      %mul3A_251 = vector.broadcast %select_n3A : f32 to vector<16xf32>
      %mul3A_252 = arith.mulf %get3A_250, %mul3A_251 : vector<16xf32>
      %swap3A_253 = arith.constant 320 : index
      %swap3A_254 = tpu.vector_load %arg7[%swap3A_253] {strides = array<i32>} : memref<1024xf32, #tpu.memory_space<vmem>>, vector<16xf32>,
      %swap3A_255 = vector.shape_cast %swap3A_254 : vector<16xf32> to vector<16xf32>
      %swap3A_256 = vector.shape_cast %mul3A_252 : vector<16xf32> to vector<16xf32>
      tpu.vector_store %arg7[%swap3A_253], %swap3A_256 {strides = array<i32>} : memref<1024xf32, #tpu.memory_space<vmem>>, vector<16xf32>,
      %get3A_257 = arith.constant 336 : index
      %get3A_258 = tpu.vector_load %arg6[%get3A_257] {strides = array<i32>} : memref<1024xf32, #tpu.memory_space<vmem>>, vector<16xf32>,
      %get3A_259 = vector.shape_cast %get3A_258 : vector<16xf32> to vector<16xf32>
      %mul3A_260 = vector.broadcast %select_n3A : f32 to vector<16xf32>
      %mul3A_261 = arith.mulf %get3A_259, %mul3A_260 : vector<16xf32>
      %swap3A_262 = arith.constant 336 : index
      %swap3A_263 = tpu.vector_load %arg7[%swap3A_262] {strides = array<i32>} : memref<1024xf32, #tpu.memory_space<vmem>>, vector<16xf32>,
      %swap3A_264 = vector.shape_cast %swap3A_263 : vector<16xf32> to vector<16xf32>
      %swap3A_265 = vector.shape_cast %mul3A_261 : vector<16xf32> to vector<16xf32>
      tpu.vector_store %arg7[%swap3A_262], %swap3A_265 {strides = array<i32>} : memref<1024xf32, #tpu.memory_space<vmem>>, vector<16xf32>,
      %get3A_266 = arith.constant 352 : index
      %get3A_267 = tpu.vector_load %arg6[%get3A_266] {strides = array<i32>} : memref<1024xf32, #tpu.memory_space<vmem>>, vector<16xf32>,
      %get3A_268 = vector.shape_cast %get3A_267 : vector<16xf32> to vector<16xf32>
      %mul3A_269 = vector.broadcast %select_n3A : f32 to vector<16xf32>
      %mul3A_270 = arith.mulf %get3A_268, %mul3A_269 : vector<16xf32>
      %swap3A_271 = arith.constant 352 : index
      %swap3A_272 = tpu.vector_load %arg7[%swap3A_271] {strides = array<i32>} : memref<1024xf32, #tpu.memory_space<vmem>>, vector<16xf32>,
      %swap3A_273 = vector.shape_cast %swap3A_272 : vector<16xf32> to vector<16xf32>
      %swap3A_274 = vector.shape_cast %mul3A_270 : vector<16xf32> to vector<16xf32>
      tpu.vector_store %arg7[%swap3A_271], %swap3A_274 {strides = array<i32>} : memref<1024xf32, #tpu.memory_space<vmem>>, vector<16xf32>,
      %get3A_275 = arith.constant 368 : index
      %get3A_276 = tpu.vector_load %arg6[%get3A_275] {strides = array<i32>} : memref<1024xf32, #tpu.memory_space<vmem>>, vector<16xf32>,
      %get3A_277 = vector.shape_cast %get3A_276 : vector<16xf32> to vector<16xf32>
      %mul3A_278 = vector.broadcast %select_n3A : f32 to vector<16xf32>
      %mul3A_279 = arith.mulf %get3A_277, %mul3A_278 : vector<16xf32>
      %swap3A_280 = arith.constant 368 : index
      %swap3A_281 = tpu.vector_load %arg7[%swap3A_280] {strides = array<i32>} : memref<1024xf32, #tpu.memory_space<vmem>>, vector<16xf32>,
      %swap3A_282 = vector.shape_cast %swap3A_281 : vector<16xf32> to vector<16xf32>
      %swap3A_283 = vector.shape_cast %mul3A_279 : vector<16xf32> to vector<16xf32>
      tpu.vector_store %arg7[%swap3A_280], %swap3A_283 {strides = array<i32>} : memref<1024xf32, #tpu.memory_space<vmem>>, vector<16xf32>,
      %get3A_284 = arith.constant 384 : index
      %get3A_285 = tpu.vector_load %arg6[%get3A_284] {strides = array<i32>} : memref<1024xf32, #tpu.memory_space<vmem>>, vector<16xf32>,
      %get3A_286 = vector.shape_cast %get3A_285 : vector<16xf32> to vector<16xf32>
      %mul3A_287 = vector.broadcast %select_n3A : f32 to vector<16xf32>
      %mul3A_288 = arith.mulf %get3A_286, %mul3A_287 : vector<16xf32>
      %swap3A_289 = arith.constant 384 : index
      %swap3A_290 = tpu.vector_load %arg7[%swap3A_289] {strides = array<i32>} : memref<1024xf32, #tpu.memory_space<vmem>>, vector<16xf32>,
      %swap3A_291 = vector.shape_cast %swap3A_290 : vector<16xf32> to vector<16xf32>
      %swap3A_292 = vector.shape_cast %mul3A_288 : vector<16xf32> to vector<16xf32>
      tpu.vector_store %arg7[%swap3A_289], %swap3A_292 {strides = array<i32>} : memref<1024xf32, #tpu.memory_space<vmem>>, vector<16xf32>,
      %get3A_293 = arith.constant 400 : index
      %get3A_294 = tpu.vector_load %arg6[%get3A_293] {strides = array<i32>} : memref<1024xf32, #tpu.memory_space<vmem>>, vector<16xf32>,
      %get3A_295 = vector.shape_cast %get3A_294 : vector<16xf32> to vector<16xf32>
      %mul3A_296 = vector.broadcast %select_n3A : f32 to vector<16xf32>
      %mul3A_297 = arith.mulf %get3A_295, %mul3A_296 : vector<16xf32>
      %swap3A_298 = arith.constant 400 : index
      %swap3A_299 = tpu.vector_load %arg7[%swap3A_298] {strides = array<i32>} : memref<1024xf32, #tpu.memory_space<vmem>>, vector<16xf32>,
      %swap3A_300 = vector.shape_cast %swap3A_299 : vector<16xf32> to vector<16xf32>
      %swap3A_301 = vector.shape_cast %mul3A_297 : vector<16xf32> to vector<16xf32>
      tpu.vector_store %arg7[%swap3A_298], %swap3A_301 {strides = array<i32>} : memref<1024xf32, #tpu.memory_space<vmem>>, vector<16xf32>,
      %get3A_302 = arith.constant 416 : index
      %get3A_303 = tpu.vector_load %arg6[%get3A_302] {strides = array<i32>} : memref<1024xf32, #tpu.memory_space<vmem>>, vector<16xf32>,
      %get3A_304 = vector.shape_cast %get3A_303 : vector<16xf32> to vector<16xf32>
      %mul3A_305 = vector.broadcast %select_n3A : f32 to vector<16xf32>
      %mul3A_306 = arith.mulf %get3A_304, %mul3A_305 : vector<16xf32>
      %swap3A_307 = arith.constant 416 : index
      %swap3A_308 = tpu.vector_load %arg7[%swap3A_307] {strides = array<i32>} : memref<1024xf32, #tpu.memory_space<vmem>>, vector<16xf32>,
      %swap3A_309 = vector.shape_cast %swap3A_308 : vector<16xf32> to vector<16xf32>
      %swap3A_310 = vector.shape_cast %mul3A_306 : vector<16xf32> to vector<16xf32>
      tpu.vector_store %arg7[%swap3A_307], %swap3A_310 {strides = array<i32>} : memref<1024xf32, #tpu.memory_space<vmem>>, vector<16xf32>,
      %get3A_311 = arith.constant 432 : index
      %get3A_312 = tpu.vector_load %arg6[%get3A_311] {strides = array<i32>} : memref<1024xf32, #tpu.memory_space<vmem>>, vector<16xf32>,
      %get3A_313 = vector.shape_cast %get3A_312 : vector<16xf32> to vector<16xf32>
      %mul3A_314 = vector.broadcast %select_n3A : f32 to vector<16xf32>
      %mul3A_315 = arith.mulf %get3A_313, %mul3A_314 : vector<16xf32>
      %swap3A_316 = arith.constant 432 : index
      %swap3A_317 = tpu.vector_load %arg7[%swap3A_316] {strides = array<i32>} : memref<1024xf32, #tpu.memory_space<vmem>>, vector<16xf32>,
      %swap3A_318 = vector.shape_cast %swap3A_317 : vector<16xf32> to vector<16xf32>
      %swap3A_319 = vector.shape_cast %mul3A_315 : vector<16xf32> to vector<16xf32>
      tpu.vector_store %arg7[%swap3A_316], %swap3A_319 {strides = array<i32>} : memref<1024xf32, #tpu.memory_space<vmem>>, vector<16xf32>,
      %get3A_320 = arith.constant 448 : index
      %get3A_321 = tpu.vector_load %arg6[%get3A_320] {strides = array<i32>} : memref<1024xf32, #tpu.memory_space<vmem>>, vector<16xf32>,
      %get3A_322 = vector.shape_cast %get3A_321 : vector<16xf32> to vector<16xf32>
      %mul3A_323 = vector.broadcast %select_n3A : f32 to vector<16xf32>
      %mul3A_324 = arith.mulf %get3A_322, %mul3A_323 : vector<16xf32>
      %swap3A_325 = arith.constant 448 : index
      %swap3A_326 = tpu.vector_load %arg7[%swap3A_325] {strides = array<i32>} : memref<1024xf32, #tpu.memory_space<vmem>>, vector<16xf32>,
      %swap3A_327 = vector.shape_cast %swap3A_326 : vector<16xf32> to vector<16xf32>
      %swap3A_328 = vector.shape_cast %mul3A_324 : vector<16xf32> to vector<16xf32>
      tpu.vector_store %arg7[%swap3A_325], %swap3A_328 {strides = array<i32>} : memref<1024xf32, #tpu.memory_space<vmem>>, vector<16xf32>,
      %get3A_329 = arith.constant 464 : index
      %get3A_330 = tpu.vector_load %arg6[%get3A_329] {strides = array<i32>} : memref<1024xf32, #tpu.memory_space<vmem>>, vector<16xf32>,
      %get3A_331 = vector.shape_cast %get3A_330 : vector<16xf32> to vector<16xf32>
      %mul3A_332 = vector.broadcast %select_n3A : f32 to vector<16xf32>
      %mul3A_333 = arith.mulf %get3A_331, %mul3A_332 : vector<16xf32>
      %swap3A_334 = arith.constant 464 : index
      %swap3A_335 = tpu.vector_load %arg7[%swap3A_334] {strides = array<i32>} : memref<1024xf32, #tpu.memory_space<vmem>>, vector<16xf32>,
      %swap3A_336 = vector.shape_cast %swap3A_335 : vector<16xf32> to vector<16xf32>
      %swap3A_337 = vector.shape_cast %mul3A_333 : vector<16xf32> to vector<16xf32>
      tpu.vector_store %arg7[%swap3A_334], %swap3A_337 {strides = array<i32>} : memref<1024xf32, #tpu.memory_space<vmem>>, vector<16xf32>,
      %get3A_338 = arith.constant 480 : index
      %get3A_339 = tpu.vector_load %arg6[%get3A_338] {strides = array<i32>} : memref<1024xf32, #tpu.memory_space<vmem>>, vector<16xf32>,
      %get3A_340 = vector.shape_cast %get3A_339 : vector<16xf32> to vector<16xf32>
      %mul3A_341 = vector.broadcast %select_n3A : f32 to vector<16xf32>
      %mul3A_342 = arith.mulf %get3A_340, %mul3A_341 : vector<16xf32>
      %swap3A_343 = arith.constant 480 : index
      %swap3A_344 = tpu.vector_load %arg7[%swap3A_343] {strides = array<i32>} : memref<1024xf32, #tpu.memory_space<vmem>>, vector<16xf32>,
      %swap3A_345 = vector.shape_cast %swap3A_344 : vector<16xf32> to vector<16xf32>
      %swap3A_346 = vector.shape_cast %mul3A_342 : vector<16xf32> to vector<16xf32>
      tpu.vector_store %arg7[%swap3A_343], %swap3A_346 {strides = array<i32>} : memref<1024xf32, #tpu.memory_space<vmem>>, vector<16xf32>,
      %get3A_347 = arith.constant 496 : index
      %get3A_348 = tpu.vector_load %arg6[%get3A_347] {strides = array<i32>} : memref<1024xf32, #tpu.memory_space<vmem>>, vector<16xf32>,
      %get3A_349 = vector.shape_cast %get3A_348 : vector<16xf32> to vector<16xf32>
      %mul3A_350 = vector.broadcast %select_n3A : f32 to vector<16xf32>
      %mul3A_351 = arith.mulf %get3A_349, %mul3A_350 : vector<16xf32>
      %swap3A_352 = arith.constant 496 : index
      %swap3A_353 = tpu.vector_load %arg7[%swap3A_352] {strides = array<i32>} : memref<1024xf32, #tpu.memory_space<vmem>>, vector<16xf32>,
      %swap3A_354 = vector.shape_cast %swap3A_353 : vector<16xf32> to vector<16xf32>
      %swap3A_355 = vector.shape_cast %mul3A_351 : vector<16xf32> to vector<16xf32>
      tpu.vector_store %arg7[%swap3A_352], %swap3A_355 {strides = array<i32>} : memref<1024xf32, #tpu.memory_space<vmem>>, vector<16xf32>,
      %get3A_356 = arith.constant 512 : index
      %get3A_357 = tpu.vector_load %arg6[%get3A_356] {strides = array<i32>} : memref<1024xf32, #tpu.memory_space<vmem>>, vector<16xf32>,
      %get3A_358 = vector.shape_cast %get3A_357 : vector<16xf32> to vector<16xf32>
      %mul3A_359 = vector.broadcast %select_n3A : f32 to vector<16xf32>
      %mul3A_360 = arith.mulf %get3A_358, %mul3A_359 : vector<16xf32>
      %swap3A_361 = arith.constant 512 : index
      %swap3A_362 = tpu.vector_load %arg7[%swap3A_361] {strides = array<i32>} : memref<1024xf32, #tpu.memory_space<vmem>>, vector<16xf32>,
      %swap3A_363 = vector.shape_cast %swap3A_362 : vector<16xf32> to vector<16xf32>
      %swap3A_364 = vector.shape_cast %mul3A_360 : vector<16xf32> to vector<16xf32>
      tpu.vector_store %arg7[%swap3A_361], %swap3A_364 {strides = array<i32>} : memref<1024xf32, #tpu.memory_space<vmem>>, vector<16xf32>,
      %get3A_365 = arith.constant 528 : index
      %get3A_366 = tpu.vector_load %arg6[%get3A_365] {strides = array<i32>} : memref<1024xf32, #tpu.memory_space<vmem>>, vector<16xf32>,
      %get3A_367 = vector.shape_cast %get3A_366 : vector<16xf32> to vector<16xf32>
      %mul3A_368 = vector.broadcast %select_n3A : f32 to vector<16xf32>
      %mul3A_369 = arith.mulf %get3A_367, %mul3A_368 : vector<16xf32>
      %swap3A_370 = arith.constant 528 : index
      %swap3A_371 = tpu.vector_load %arg7[%swap3A_370] {strides = array<i32>} : memref<1024xf32, #tpu.memory_space<vmem>>, vector<16xf32>,
      %swap3A_372 = vector.shape_cast %swap3A_371 : vector<16xf32> to vector<16xf32>
      %swap3A_373 = vector.shape_cast %mul3A_369 : vector<16xf32> to vector<16xf32>
      tpu.vector_store %arg7[%swap3A_370], %swap3A_373 {strides = array<i32>} : memref<1024xf32, #tpu.memory_space<vmem>>, vector<16xf32>,
      %get3A_374 = arith.constant 544 : index
      %get3A_375 = tpu.vector_load %arg6[%get3A_374] {strides = array<i32>} : memref<1024xf32, #tpu.memory_space<vmem>>, vector<16xf32>,
      %get3A_376 = vector.shape_cast %get3A_375 : vector<16xf32> to vector<16xf32>
      %mul3A_377 = vector.broadcast %select_n3A : f32 to vector<16xf32>
      %mul3A_378 = arith.mulf %get3A_376, %mul3A_377 : vector<16xf32>
      %swap3A_379 = arith.constant 544 : index
      %swap3A_380 = tpu.vector_load %arg7[%swap3A_379] {strides = array<i32>} : memref<1024xf32, #tpu.memory_space<vmem>>, vector<16xf32>,
      %swap3A_381 = vector.shape_cast %swap3A_380 : vector<16xf32> to vector<16xf32>
      %swap3A_382 = vector.shape_cast %mul3A_378 : vector<16xf32> to vector<16xf32>
      tpu.vector_store %arg7[%swap3A_379], %swap3A_382 {strides = array<i32>} : memref<1024xf32, #tpu.memory_space<vmem>>, vector<16xf32>,
      %get3A_383 = arith.constant 560 : index
      %get3A_384 = tpu.vector_load %arg6[%get3A_383] {strides = array<i32>} : memref<1024xf32, #tpu.memory_space<vmem>>, vector<16xf32>,
      %get3A_385 = vector.shape_cast %get3A_384 : vector<16xf32> to vector<16xf32>
      %mul3A_386 = vector.broadcast %select_n3A : f32 to vector<16xf32>
      %mul3A_387 = arith.mulf %get3A_385, %mul3A_386 : vector<16xf32>
      %swap3A_388 = arith.constant 560 : index
      %swap3A_389 = tpu.vector_load %arg7[%swap3A_388] {strides = array<i32>} : memref<1024xf32, #tpu.memory_space<vmem>>, vector<16xf32>,
      %swap3A_390 = vector.shape_cast %swap3A_389 : vector<16xf32> to vector<16xf32>
      %swap3A_391 = vector.shape_cast %mul3A_387 : vector<16xf32> to vector<16xf32>
      tpu.vector_store %arg7[%swap3A_388], %swap3A_391 {strides = array<i32>} : memref<1024xf32, #tpu.memory_space<vmem>>, vector<16xf32>,
      %get3A_392 = arith.constant 576 : index
      %get3A_393 = tpu.vector_load %arg6[%get3A_392] {strides = array<i32>} : memref<1024xf32, #tpu.memory_space<vmem>>, vector<16xf32>,
      %get3A_394 = vector.shape_cast %get3A_393 : vector<16xf32> to vector<16xf32>
      %mul3A_395 = vector.broadcast %select_n3A : f32 to vector<16xf32>
      %mul3A_396 = arith.mulf %get3A_394, %mul3A_395 : vector<16xf32>
      %swap3A_397 = arith.constant 576 : index
      %swap3A_398 = tpu.vector_load %arg7[%swap3A_397] {strides = array<i32>} : memref<1024xf32, #tpu.memory_space<vmem>>, vector<16xf32>,
      %swap3A_399 = vector.shape_cast %swap3A_398 : vector<16xf32> to vector<16xf32>
      %swap3A_400 = vector.shape_cast %mul3A_396 : vector<16xf32> to vector<16xf32>
      tpu.vector_store %arg7[%swap3A_397], %swap3A_400 {strides = array<i32>} : memref<1024xf32, #tpu.memory_space<vmem>>, vector<16xf32>,
      %get3A_401 = arith.constant 592 : index
      %get3A_402 = tpu.vector_load %arg6[%get3A_401] {strides = array<i32>} : memref<1024xf32, #tpu.memory_space<vmem>>, vector<16xf32>,
      %get3A_403 = vector.shape_cast %get3A_402 : vector<16xf32> to vector<16xf32>
      %mul3A_404 = vector.broadcast %select_n3A : f32 to vector<16xf32>
      %mul3A_405 = arith.mulf %get3A_403, %mul3A_404 : vector<16xf32>
      %swap3A_406 = arith.constant 592 : index
      %swap3A_407 = tpu.vector_load %arg7[%swap3A_406] {strides = array<i32>} : memref<1024xf32, #tpu.memory_space<vmem>>, vector<16xf32>,
      %swap3A_408 = vector.shape_cast %swap3A_407 : vector<16xf32> to vector<16xf32>
      %swap3A_409 = vector.shape_cast %mul3A_405 : vector<16xf32> to vector<16xf32>
      tpu.vector_store %arg7[%swap3A_406], %swap3A_409 {strides = array<i32>} : memref<1024xf32, #tpu.memory_space<vmem>>, vector<16xf32>,
      %get3A_410 = arith.constant 608 : index
      %get3A_411 = tpu.vector_load %arg6[%get3A_410] {strides = array<i32>} : memref<1024xf32, #tpu.memory_space<vmem>>, vector<16xf32>,
      %get3A_412 = vector.shape_cast %get3A_411 : vector<16xf32> to vector<16xf32>
      %mul3A_413 = vector.broadcast %select_n3A : f32 to vector<16xf32>
      %mul3A_414 = arith.mulf %get3A_412, %mul3A_413 : vector<16xf32>
      %swap3A_415 = arith.constant 608 : index
      %swap3A_416 = tpu.vector_load %arg7[%swap3A_415] {strides = array<i32>} : memref<1024xf32, #tpu.memory_space<vmem>>, vector<16xf32>,
      %swap3A_417 = vector.shape_cast %swap3A_416 : vector<16xf32> to vector<16xf32>
      %swap3A_418 = vector.shape_cast %mul3A_414 : vector<16xf32> to vector<16xf32>
      tpu.vector_store %arg7[%swap3A_415], %swap3A_418 {strides = array<i32>} : memref<1024xf32, #tpu.memory_space<vmem>>, vector<16xf32>,
      %get3A_419 = arith.constant 624 : index
      %get3A_420 = tpu.vector_load %arg6[%get3A_419] {strides = array<i32>} : memref<1024xf32, #tpu.memory_space<vmem>>, vector<16xf32>,
      %get3A_421 = vector.shape_cast %get3A_420 : vector<16xf32> to vector<16xf32>
      %mul3A_422 = vector.broadcast %select_n3A : f32 to vector<16xf32>
      %mul3A_423 = arith.mulf %get3A_421, %mul3A_422 : vector<16xf32>
      %swap3A_424 = arith.constant 624 : index
      %swap3A_425 = tpu.vector_load %arg7[%swap3A_424] {strides = array<i32>} : memref<1024xf32, #tpu.memory_space<vmem>>, vector<16xf32>,
      %swap3A_426 = vector.shape_cast %swap3A_425 : vector<16xf32> to vector<16xf32>
      %swap3A_427 = vector.shape_cast %mul3A_423 : vector<16xf32> to vector<16xf32>
      tpu.vector_store %arg7[%swap3A_424], %swap3A_427 {strides = array<i32>} : memref<1024xf32, #tpu.memory_space<vmem>>, vector<16xf32>,
      %get3A_428 = arith.constant 640 : index
      %get3A_429 = tpu.vector_load %arg6[%get3A_428] {strides = array<i32>} : memref<1024xf32, #tpu.memory_space<vmem>>, vector<16xf32>,
      %get3A_430 = vector.shape_cast %get3A_429 : vector<16xf32> to vector<16xf32>
      %mul3A_431 = vector.broadcast %select_n3A : f32 to vector<16xf32>
      %mul3A_432 = arith.mulf %get3A_430, %mul3A_431 : vector<16xf32>
      %swap3A_433 = arith.constant 640 : index
      %swap3A_434 = tpu.vector_load %arg7[%swap3A_433] {strides = array<i32>} : memref<1024xf32, #tpu.memory_space<vmem>>, vector<16xf32>,
      %swap3A_435 = vector.shape_cast %swap3A_434 : vector<16xf32> to vector<16xf32>
      %swap3A_436 = vector.shape_cast %mul3A_432 : vector<16xf32> to vector<16xf32>
      tpu.vector_store %arg7[%swap3A_433], %swap3A_436 {strides = array<i32>} : memref<1024xf32, #tpu.memory_space<vmem>>, vector<16xf32>,
      %get3A_437 = arith.constant 656 : index
      %get3A_438 = tpu.vector_load %arg6[%get3A_437] {strides = array<i32>} : memref<1024xf32, #tpu.memory_space<vmem>>, vector<16xf32>,
      %get3A_439 = vector.shape_cast %get3A_438 : vector<16xf32> to vector<16xf32>
      %mul3A_440 = vector.broadcast %select_n3A : f32 to vector<16xf32>
      %mul3A_441 = arith.mulf %get3A_439, %mul3A_440 : vector<16xf32>
      %swap3A_442 = arith.constant 656 : index
      %swap3A_443 = tpu.vector_load %arg7[%swap3A_442] {strides = array<i32>} : memref<1024xf32, #tpu.memory_space<vmem>>, vector<16xf32>,
      %swap3A_444 = vector.shape_cast %swap3A_443 : vector<16xf32> to vector<16xf32>
      %swap3A_445 = vector.shape_cast %mul3A_441 : vector<16xf32> to vector<16xf32>
      tpu.vector_store %arg7[%swap3A_442], %swap3A_445 {strides = array<i32>} : memref<1024xf32, #tpu.memory_space<vmem>>, vector<16xf32>,
      %get3A_446 = arith.constant 672 : index
      %get3A_447 = tpu.vector_load %arg6[%get3A_446] {strides = array<i32>} : memref<1024xf32, #tpu.memory_space<vmem>>, vector<16xf32>,
      %get3A_448 = vector.shape_cast %get3A_447 : vector<16xf32> to vector<16xf32>
      %mul3A_449 = vector.broadcast %select_n3A : f32 to vector<16xf32>
      %mul3A_450 = arith.mulf %get3A_448, %mul3A_449 : vector<16xf32>
      %swap3A_451 = arith.constant 672 : index
      %swap3A_452 = tpu.vector_load %arg7[%swap3A_451] {strides = array<i32>} : memref<1024xf32, #tpu.memory_space<vmem>>, vector<16xf32>,
      %swap3A_453 = vector.shape_cast %swap3A_452 : vector<16xf32> to vector<16xf32>
      %swap3A_454 = vector.shape_cast %mul3A_450 : vector<16xf32> to vector<16xf32>
      tpu.vector_store %arg7[%swap3A_451], %swap3A_454 {strides = array<i32>} : memref<1024xf32, #tpu.memory_space<vmem>>, vector<16xf32>,
      %get3A_455 = arith.constant 688 : index
      %get3A_456 = tpu.vector_load %arg6[%get3A_455] {strides = array<i32>} : memref<1024xf32, #tpu.memory_space<vmem>>, vector<16xf32>,
      %get3A_457 = vector.shape_cast %get3A_456 : vector<16xf32> to vector<16xf32>
      %mul3A_458 = vector.broadcast %select_n3A : f32 to vector<16xf32>
      %mul3A_459 = arith.mulf %get3A_457, %mul3A_458 : vector<16xf32>
      %swap3A_460 = arith.constant 688 : index
      %swap3A_461 = tpu.vector_load %arg7[%swap3A_460] {strides = array<i32>} : memref<1024xf32, #tpu.memory_space<vmem>>, vector<16xf32>,
      %swap3A_462 = vector.shape_cast %swap3A_461 : vector<16xf32> to vector<16xf32>
      %swap3A_463 = vector.shape_cast %mul3A_459 : vector<16xf32> to vector<16xf32>
      tpu.vector_store %arg7[%swap3A_460], %swap3A_463 {strides = array<i32>} : memref<1024xf32, #tpu.memory_space<vmem>>, vector<16xf32>,
      %get3A_464 = arith.constant 704 : index
      %get3A_465 = tpu.vector_load %arg6[%get3A_464] {strides = array<i32>} : memref<1024xf32, #tpu.memory_space<vmem>>, vector<16xf32>,
      %get3A_466 = vector.shape_cast %get3A_465 : vector<16xf32> to vector<16xf32>
      %mul3A_467 = vector.broadcast %select_n3A : f32 to vector<16xf32>
      %mul3A_468 = arith.mulf %get3A_466, %mul3A_467 : vector<16xf32>
      %swap3A_469 = arith.constant 704 : index
      %swap3A_470 = tpu.vector_load %arg7[%swap3A_469] {strides = array<i32>} : memref<1024xf32, #tpu.memory_space<vmem>>, vector<16xf32>,
      %swap3A_471 = vector.shape_cast %swap3A_470 : vector<16xf32> to vector<16xf32>
      %swap3A_472 = vector.shape_cast %mul3A_468 : vector<16xf32> to vector<16xf32>
      tpu.vector_store %arg7[%swap3A_469], %swap3A_472 {strides = array<i32>} : memref<1024xf32, #tpu.memory_space<vmem>>, vector<16xf32>,
      %get3A_473 = arith.constant 720 : index
      %get3A_474 = tpu.vector_load %arg6[%get3A_473] {strides = array<i32>} : memref<1024xf32, #tpu.memory_space<vmem>>, vector<16xf32>,
      %get3A_475 = vector.shape_cast %get3A_474 : vector<16xf32> to vector<16xf32>
      %mul3A_476 = vector.broadcast %select_n3A : f32 to vector<16xf32>
      %mul3A_477 = arith.mulf %get3A_475, %mul3A_476 : vector<16xf32>
      %swap3A_478 = arith.constant 720 : index
      %swap3A_479 = tpu.vector_load %arg7[%swap3A_478] {strides = array<i32>} : memref<1024xf32, #tpu.memory_space<vmem>>, vector<16xf32>,
      %swap3A_480 = vector.shape_cast %swap3A_479 : vector<16xf32> to vector<16xf32>
      %swap3A_481 = vector.shape_cast %mul3A_477 : vector<16xf32> to vector<16xf32>
      tpu.vector_store %arg7[%swap3A_478], %swap3A_481 {strides = array<i32>} : memref<1024xf32, #tpu.memory_space<vmem>>, vector<16xf32>,
      %get3A_482 = arith.constant 736 : index
      %get3A_483 = tpu.vector_load %arg6[%get3A_482] {strides = array<i32>} : memref<1024xf32, #tpu.memory_space<vmem>>, vector<16xf32>,
      %get3A_484 = vector.shape_cast %get3A_483 : vector<16xf32> to vector<16xf32>
      %mul3A_485 = vector.broadcast %select_n3A : f32 to vector<16xf32>
      %mul3A_486 = arith.mulf %get3A_484, %mul3A_485 : vector<16xf32>
      %swap3A_487 = arith.constant 736 : index
      %swap3A_488 = tpu.vector_load %arg7[%swap3A_487] {strides = array<i32>} : memref<1024xf32, #tpu.memory_space<vmem>>, vector<16xf32>,
      %swap3A_489 = vector.shape_cast %swap3A_488 : vector<16xf32> to vector<16xf32>
      %swap3A_490 = vector.shape_cast %mul3A_486 : vector<16xf32> to vector<16xf32>
      tpu.vector_store %arg7[%swap3A_487], %swap3A_490 {strides = array<i32>} : memref<1024xf32, #tpu.memory_space<vmem>>, vector<16xf32>,
      %get3A_491 = arith.constant 752 : index
      %get3A_492 = tpu.vector_load %arg6[%get3A_491] {strides = array<i32>} : memref<1024xf32, #tpu.memory_space<vmem>>, vector<16xf32>,
      %get3A_493 = vector.shape_cast %get3A_492 : vector<16xf32> to vector<16xf32>
      %mul3A_494 = vector.broadcast %select_n3A : f32 to vector<16xf32>
      %mul3A_495 = arith.mulf %get3A_493, %mul3A_494 : vector<16xf32>
      %swap3A_496 = arith.constant 752 : index
      %swap3A_497 = tpu.vector_load %arg7[%swap3A_496] {strides = array<i32>} : memref<1024xf32, #tpu.memory_space<vmem>>, vector<16xf32>,
      %swap3A_498 = vector.shape_cast %swap3A_497 : vector<16xf32> to vector<16xf32>
      %swap3A_499 = vector.shape_cast %mul3A_495 : vector<16xf32> to vector<16xf32>
      tpu.vector_store %arg7[%swap3A_496], %swap3A_499 {strides = array<i32>} : memref<1024xf32, #tpu.memory_space<vmem>>, vector<16xf32>,
      %get3A_500 = arith.constant 768 : index
      %get3A_501 = tpu.vector_load %arg6[%get3A_500] {strides = array<i32>} : memref<1024xf32, #tpu.memory_space<vmem>>, vector<16xf32>,
      %get3A_502 = vector.shape_cast %get3A_501 : vector<16xf32> to vector<16xf32>
      %mul3A_503 = vector.broadcast %select_n3A : f32 to vector<16xf32>
      %mul3A_504 = arith.mulf %get3A_502, %mul3A_503 : vector<16xf32>
      %swap3A_505 = arith.constant 768 : index
      %swap3A_506 = tpu.vector_load %arg7[%swap3A_505] {strides = array<i32>} : memref<1024xf32, #tpu.memory_space<vmem>>, vector<16xf32>,
      %swap3A_507 = vector.shape_cast %swap3A_506 : vector<16xf32> to vector<16xf32>
      %swap3A_508 = vector.shape_cast %mul3A_504 : vector<16xf32> to vector<16xf32>
      tpu.vector_store %arg7[%swap3A_505], %swap3A_508 {strides = array<i32>} : memref<1024xf32, #tpu.memory_space<vmem>>, vector<16xf32>,
      %get3A_509 = arith.constant 784 : index
      %get3A_510 = tpu.vector_load %arg6[%get3A_509] {strides = array<i32>} : memref<1024xf32, #tpu.memory_space<vmem>>, vector<16xf32>,
      %get3A_511 = vector.shape_cast %get3A_510 : vector<16xf32> to vector<16xf32>
      %mul3A_512 = vector.broadcast %select_n3A : f32 to vector<16xf32>
      %mul3A_513 = arith.mulf %get3A_511, %mul3A_512 : vector<16xf32>
      %swap3A_514 = arith.constant 784 : index
      %swap3A_515 = tpu.vector_load %arg7[%swap3A_514] {strides = array<i32>} : memref<1024xf32, #tpu.memory_space<vmem>>, vector<16xf32>,
      %swap3A_516 = vector.shape_cast %swap3A_515 : vector<16xf32> to vector<16xf32>
      %swap3A_517 = vector.shape_cast %mul3A_513 : vector<16xf32> to vector<16xf32>
      tpu.vector_store %arg7[%swap3A_514], %swap3A_517 {strides = array<i32>} : memref<1024xf32, #tpu.memory_space<vmem>>, vector<16xf32>,
      %get3A_518 = arith.constant 800 : index
      %get3A_519 = tpu.vector_load %arg6[%get3A_518] {strides = array<i32>} : memref<1024xf32, #tpu.memory_space<vmem>>, vector<16xf32>,
      %get3A_520 = vector.shape_cast %get3A_519 : vector<16xf32> to vector<16xf32>
      %mul3A_521 = vector.broadcast %select_n3A : f32 to vector<16xf32>
      %mul3A_522 = arith.mulf %get3A_520, %mul3A_521 : vector<16xf32>
      %swap3A_523 = arith.constant 800 : index
      %swap3A_524 = tpu.vector_load %arg7[%swap3A_523] {strides = array<i32>} : memref<1024xf32, #tpu.memory_space<vmem>>, vector<16xf32>,
      %swap3A_525 = vector.shape_cast %swap3A_524 : vector<16xf32> to vector<16xf32>
      %swap3A_526 = vector.shape_cast %mul3A_522 : vector<16xf32> to vector<16xf32>
      tpu.vector_store %arg7[%swap3A_523], %swap3A_526 {strides = array<i32>} : memref<1024xf32, #tpu.memory_space<vmem>>, vector<16xf32>,
      %get3A_527 = arith.constant 816 : index
      %get3A_528 = tpu.vector_load %arg6[%get3A_527] {strides = array<i32>} : memref<1024xf32, #tpu.memory_space<vmem>>, vector<16xf32>,
      %get3A_529 = vector.shape_cast %get3A_528 : vector<16xf32> to vector<16xf32>
      %mul3A_530 = vector.broadcast %select_n3A : f32 to vector<16xf32>
      %mul3A_531 = arith.mulf %get3A_529, %mul3A_530 : vector<16xf32>
      %swap3A_532 = arith.constant 816 : index
      %swap3A_533 = tpu.vector_load %arg7[%swap3A_532] {strides = array<i32>} : memref<1024xf32, #tpu.memory_space<vmem>>, vector<16xf32>,
      %swap3A_534 = vector.shape_cast %swap3A_533 : vector<16xf32> to vector<16xf32>
      %swap3A_535 = vector.shape_cast %mul3A_531 : vector<16xf32> to vector<16xf32>
      tpu.vector_store %arg7[%swap3A_532], %swap3A_535 {strides = array<i32>} : memref<1024xf32, #tpu.memory_space<vmem>>, vector<16xf32>,
      %get3A_536 = arith.constant 832 : index
      %get3A_537 = tpu.vector_load %arg6[%get3A_536] {strides = array<i32>} : memref<1024xf32, #tpu.memory_space<vmem>>, vector<16xf32>,
      %get3A_538 = vector.shape_cast %get3A_537 : vector<16xf32> to vector<16xf32>
      %mul3A_539 = vector.broadcast %select_n3A : f32 to vector<16xf32>
      %mul3A_540 = arith.mulf %get3A_538, %mul3A_539 : vector<16xf32>
      %swap3A_541 = arith.constant 832 : index
      %swap3A_542 = tpu.vector_load %arg7[%swap3A_541] {strides = array<i32>} : memref<1024xf32, #tpu.memory_space<vmem>>, vector<16xf32>,
      %swap3A_543 = vector.shape_cast %swap3A_542 : vector<16xf32> to vector<16xf32>
      %swap3A_544 = vector.shape_cast %mul3A_540 : vector<16xf32> to vector<16xf32>
      tpu.vector_store %arg7[%swap3A_541], %swap3A_544 {strides = array<i32>} : memref<1024xf32, #tpu.memory_space<vmem>>, vector<16xf32>,
      %get3A_545 = arith.constant 848 : index
      %get3A_546 = tpu.vector_load %arg6[%get3A_545] {strides = array<i32>} : memref<1024xf32, #tpu.memory_space<vmem>>, vector<16xf32>,
      %get3A_547 = vector.shape_cast %get3A_546 : vector<16xf32> to vector<16xf32>
      %mul3A_548 = vector.broadcast %select_n3A : f32 to vector<16xf32>
      %mul3A_549 = arith.mulf %get3A_547, %mul3A_548 : vector<16xf32>
      %swap3A_550 = arith.constant 848 : index
      %swap3A_551 = tpu.vector_load %arg7[%swap3A_550] {strides = array<i32>} : memref<1024xf32, #tpu.memory_space<vmem>>, vector<16xf32>,
      %swap3A_552 = vector.shape_cast %swap3A_551 : vector<16xf32> to vector<16xf32>
      %swap3A_553 = vector.shape_cast %mul3A_549 : vector<16xf32> to vector<16xf32>
      tpu.vector_store %arg7[%swap3A_550], %swap3A_553 {strides = array<i32>} : memref<1024xf32, #tpu.memory_space<vmem>>, vector<16xf32>,
      %get3A_554 = arith.constant 864 : index
      %get3A_555 = tpu.vector_load %arg6[%get3A_554] {strides = array<i32>} : memref<1024xf32, #tpu.memory_space<vmem>>, vector<16xf32>,
      %get3A_556 = vector.shape_cast %get3A_555 : vector<16xf32> to vector<16xf32>
      %mul3A_557 = vector.broadcast %select_n3A : f32 to vector<16xf32>
      %mul3A_558 = arith.mulf %get3A_556, %mul3A_557 : vector<16xf32>
      %swap3A_559 = arith.constant 864 : index
      %swap3A_560 = tpu.vector_load %arg7[%swap3A_559] {strides = array<i32>} : memref<1024xf32, #tpu.memory_space<vmem>>, vector<16xf32>,
      %swap3A_561 = vector.shape_cast %swap3A_560 : vector<16xf32> to vector<16xf32>
      %swap3A_562 = vector.shape_cast %mul3A_558 : vector<16xf32> to vector<16xf32>
      tpu.vector_store %arg7[%swap3A_559], %swap3A_562 {strides = array<i32>} : memref<1024xf32, #tpu.memory_space<vmem>>, vector<16xf32>,
      %get3A_563 = arith.constant 880 : index
      %get3A_564 = tpu.vector_load %arg6[%get3A_563] {strides = array<i32>} : memref<1024xf32, #tpu.memory_space<vmem>>, vector<16xf32>,
      %get3A_565 = vector.shape_cast %get3A_564 : vector<16xf32> to vector<16xf32>
      %mul3A_566 = vector.broadcast %select_n3A : f32 to vector<16xf32>
      %mul3A_567 = arith.mulf %get3A_565, %mul3A_566 : vector<16xf32>
      %swap3A_568 = arith.constant 880 : index
      %swap3A_569 = tpu.vector_load %arg7[%swap3A_568] {strides = array<i32>} : memref<1024xf32, #tpu.memory_space<vmem>>, vector<16xf32>,
      %swap3A_570 = vector.shape_cast %swap3A_569 : vector<16xf32> to vector<16xf32>
      %swap3A_571 = vector.shape_cast %mul3A_567 : vector<16xf32> to vector<16xf32>
      tpu.vector_store %arg7[%swap3A_568], %swap3A_571 {strides = array<i32>} : memref<1024xf32, #tpu.memory_space<vmem>>, vector<16xf32>,
      %get3A_572 = arith.constant 896 : index
      %get3A_573 = tpu.vector_load %arg6[%get3A_572] {strides = array<i32>} : memref<1024xf32, #tpu.memory_space<vmem>>, vector<16xf32>,
      %get3A_574 = vector.shape_cast %get3A_573 : vector<16xf32> to vector<16xf32>
      %mul3A_575 = vector.broadcast %select_n3A : f32 to vector<16xf32>
      %mul3A_576 = arith.mulf %get3A_574, %mul3A_575 : vector<16xf32>
      %swap3A_577 = arith.constant 896 : index
      %swap3A_578 = tpu.vector_load %arg7[%swap3A_577] {strides = array<i32>} : memref<1024xf32, #tpu.memory_space<vmem>>, vector<16xf32>,
      %swap3A_579 = vector.shape_cast %swap3A_578 : vector<16xf32> to vector<16xf32>
      %swap3A_580 = vector.shape_cast %mul3A_576 : vector<16xf32> to vector<16xf32>
      tpu.vector_store %arg7[%swap3A_577], %swap3A_580 {strides = array<i32>} : memref<1024xf32, #tpu.memory_space<vmem>>, vector<16xf32>,
      %get3A_581 = arith.constant 912 : index
      %get3A_582 = tpu.vector_load %arg6[%get3A_581] {strides = array<i32>} : memref<1024xf32, #tpu.memory_space<vmem>>, vector<16xf32>,
      %get3A_583 = vector.shape_cast %get3A_582 : vector<16xf32> to vector<16xf32>
      %mul3A_584 = vector.broadcast %select_n3A : f32 to vector<16xf32>
      %mul3A_585 = arith.mulf %get3A_583, %mul3A_584 : vector<16xf32>
      %swap3A_586 = arith.constant 912 : index
      %swap3A_587 = tpu.vector_load %arg7[%swap3A_586] {strides = array<i32>} : memref<1024xf32, #tpu.memory_space<vmem>>, vector<16xf32>,
      %swap3A_588 = vector.shape_cast %swap3A_587 : vector<16xf32> to vector<16xf32>
      %swap3A_589 = vector.shape_cast %mul3A_585 : vector<16xf32> to vector<16xf32>
      tpu.vector_store %arg7[%swap3A_586], %swap3A_589 {strides = array<i32>} : memref<1024xf32, #tpu.memory_space<vmem>>, vector<16xf32>,
      %get3A_590 = arith.constant 928 : index
      %get3A_591 = tpu.vector_load %arg6[%get3A_590] {strides = array<i32>} : memref<1024xf32, #tpu.memory_space<vmem>>, vector<16xf32>,
      %get3A_592 = vector.shape_cast %get3A_591 : vector<16xf32> to vector<16xf32>
      %mul3A_593 = vector.broadcast %select_n3A : f32 to vector<16xf32>
      %mul3A_594 = arith.mulf %get3A_592, %mul3A_593 : vector<16xf32>
      %swap3A_595 = arith.constant 928 : index
      %swap3A_596 = tpu.vector_load %arg7[%swap3A_595] {strides = array<i32>} : memref<1024xf32, #tpu.memory_space<vmem>>, vector<16xf32>,
      %swap3A_597 = vector.shape_cast %swap3A_596 : vector<16xf32> to vector<16xf32>
      %swap3A_598 = vector.shape_cast %mul3A_594 : vector<16xf32> to vector<16xf32>
      tpu.vector_store %arg7[%swap3A_595], %swap3A_598 {strides = array<i32>} : memref<1024xf32, #tpu.memory_space<vmem>>, vector<16xf32>,
      %get3A_599 = arith.constant 944 : index
      %get3A_600 = tpu.vector_load %arg6[%get3A_599] {strides = array<i32>} : memref<1024xf32, #tpu.memory_space<vmem>>, vector<16xf32>,
      %get3A_601 = vector.shape_cast %get3A_600 : vector<16xf32> to vector<16xf32>
      %mul3A_602 = vector.broadcast %select_n3A : f32 to vector<16xf32>
      %mul3A_603 = arith.mulf %get3A_601, %mul3A_602 : vector<16xf32>
      %swap3A_604 = arith.constant 944 : index
      %swap3A_605 = tpu.vector_load %arg7[%swap3A_604] {strides = array<i32>} : memref<1024xf32, #tpu.memory_space<vmem>>, vector<16xf32>,
      %swap3A_606 = vector.shape_cast %swap3A_605 : vector<16xf32> to vector<16xf32>
      %swap3A_607 = vector.shape_cast %mul3A_603 : vector<16xf32> to vector<16xf32>
      tpu.vector_store %arg7[%swap3A_604], %swap3A_607 {strides = array<i32>} : memref<1024xf32, #tpu.memory_space<vmem>>, vector<16xf32>,
      %get3A_608 = arith.constant 960 : index
      %get3A_609 = tpu.vector_load %arg6[%get3A_608] {strides = array<i32>} : memref<1024xf32, #tpu.memory_space<vmem>>, vector<16xf32>,
      %get3A_610 = vector.shape_cast %get3A_609 : vector<16xf32> to vector<16xf32>
      %mul3A_611 = vector.broadcast %select_n3A : f32 to vector<16xf32>
      %mul3A_612 = arith.mulf %get3A_610, %mul3A_611 : vector<16xf32>
      %swap3A_613 = arith.constant 960 : index
      %swap3A_614 = tpu.vector_load %arg7[%swap3A_613] {strides = array<i32>} : memref<1024xf32, #tpu.memory_space<vmem>>, vector<16xf32>,
      %swap3A_615 = vector.shape_cast %swap3A_614 : vector<16xf32> to vector<16xf32>
      %swap3A_616 = vector.shape_cast %mul3A_612 : vector<16xf32> to vector<16xf32>
      tpu.vector_store %arg7[%swap3A_613], %swap3A_616 {strides = array<i32>} : memref<1024xf32, #tpu.memory_space<vmem>>, vector<16xf32>,
      %get3A_617 = arith.constant 976 : index
      %get3A_618 = tpu.vector_load %arg6[%get3A_617] {strides = array<i32>} : memref<1024xf32, #tpu.memory_space<vmem>>, vector<16xf32>,
      %get3A_619 = vector.shape_cast %get3A_618 : vector<16xf32> to vector<16xf32>
      %mul3A_620 = vector.broadcast %select_n3A : f32 to vector<16xf32>
      %mul3A_621 = arith.mulf %get3A_619, %mul3A_620 : vector<16xf32>
      %swap3A_622 = arith.constant 976 : index
      %swap3A_623 = tpu.vector_load %arg7[%swap3A_622] {strides = array<i32>} : memref<1024xf32, #tpu.memory_space<vmem>>, vector<16xf32>,
      %swap3A_624 = vector.shape_cast %swap3A_623 : vector<16xf32> to vector<16xf32>
      %swap3A_625 = vector.shape_cast %mul3A_621 : vector<16xf32> to vector<16xf32>
      tpu.vector_store %arg7[%swap3A_622], %swap3A_625 {strides = array<i32>} : memref<1024xf32, #tpu.memory_space<vmem>>, vector<16xf32>,
      %get3A_626 = arith.constant 992 : index
      %get3A_627 = tpu.vector_load %arg6[%get3A_626] {strides = array<i32>} : memref<1024xf32, #tpu.memory_space<vmem>>, vector<16xf32>,
      %get3A_628 = vector.shape_cast %get3A_627 : vector<16xf32> to vector<16xf32>
      %mul3A_629 = vector.broadcast %select_n3A : f32 to vector<16xf32>
      %mul3A_630 = arith.mulf %get3A_628, %mul3A_629 : vector<16xf32>
      %swap3A_631 = arith.constant 992 : index
      %swap3A_632 = tpu.vector_load %arg7[%swap3A_631] {strides = array<i32>} : memref<1024xf32, #tpu.memory_space<vmem>>, vector<16xf32>,
      %swap3A_633 = vector.shape_cast %swap3A_632 : vector<16xf32> to vector<16xf32>
      %swap3A_634 = vector.shape_cast %mul3A_630 : vector<16xf32> to vector<16xf32>
      tpu.vector_store %arg7[%swap3A_631], %swap3A_634 {strides = array<i32>} : memref<1024xf32, #tpu.memory_space<vmem>>, vector<16xf32>,
      %get3A_635 = arith.constant 1008 : index
      %get3A_636 = tpu.vector_load %arg6[%get3A_635] {strides = array<i32>} : memref<1024xf32, #tpu.memory_space<vmem>>, vector<16xf32>,
      %get3A_637 = vector.shape_cast %get3A_636 : vector<16xf32> to vector<16xf32>
      %mul3A_638 = vector.broadcast %select_n3A : f32 to vector<16xf32>
      %mul3A_639 = arith.mulf %get3A_637, %mul3A_638 : vector<16xf32>
      %swap3A_640 = arith.constant 1008 : index
      %swap3A_641 = tpu.vector_load %arg7[%swap3A_640] {strides = array<i32>} : memref<1024xf32, #tpu.memory_space<vmem>>, vector<16xf32>,
      %swap3A_642 = vector.shape_cast %swap3A_641 : vector<16xf32> to vector<16xf32>
      %swap3A_643 = vector.shape_cast %mul3A_639 : vector<16xf32> to vector<16xf32>
      tpu.vector_store %arg7[%swap3A_640], %swap3A_643 {strides = array<i32>} : memref<1024xf32, #tpu.memory_space<vmem>>, vector<16xf32>,
      "tpu.region"() ({
        %run_scoped3A = tpu.sem_alloc : memref<!tpu.dma_semaphore, #tpu.memory_space<semaphore_mem>>
        %dma_start3A = arith.constant 0 : i32
        %dma_start3A_644 = tpu.memref_slice %arg4[%add3A, %dma_start3A] : memref<4x1024xf32, #tpu.memory_space<hbm>> -> memref<1x1024xf32, #tpu.memory_space<hbm>>
        %dma_start3A_645 = tpu.memref_squeeze %dma_start3A_644 : memref<1x1024xf32, #tpu.memory_space<hbm>> -> memref<1024xf32, #tpu.memory_space<hbm>>
        %dma_start3A_646 = arith.constant 0 : i32
        %dma_start3A_647 = tpu.memref_slice %arg4[%add3A, %dma_start3A_646] : memref<4x1024xf32, #tpu.memory_space<hbm>> -> memref<1x1024xf32, #tpu.memory_space<hbm>>
        %dma_start3A_648 = tpu.memref_squeeze %dma_start3A_647 : memref<1x1024xf32, #tpu.memory_space<hbm>> -> memref<1024xf32, #tpu.memory_space<hbm>>
        tpu.enqueue_dma source(%arg7 : memref<1024xf32, #tpu.memory_space<vmem>>) target(%dma_start3A_648 : memref<1024xf32, #tpu.memory_space<hbm>>) target_semaphore(%run_scoped3A : memref<!tpu.dma_semaphore, #tpu.memory_space<semaphore_mem>>)
        %dma_wait3A = arith.constant 0 : i32
        %dma_wait3A_649 = tpu.memref_slice %arg4[%add3A, %dma_wait3A] : memref<4x1024xf32, #tpu.memory_space<hbm>> -> memref<1x1024xf32, #tpu.memory_space<hbm>>
        %dma_wait3A_650 = tpu.memref_squeeze %dma_wait3A_649 : memref<1x1024xf32, #tpu.memory_space<hbm>> -> memref<1024xf32, #tpu.memory_space<hbm>>
        %dma_wait3A_651 = arith.constant 0 : i32
        %dma_wait3A_652 = tpu.memref_slice %arg4[%add3A, %dma_wait3A_651] : memref<4x1024xf32, #tpu.memory_space<hbm>> -> memref<1x1024xf32, #tpu.memory_space<hbm>>
        %dma_wait3A_653 = tpu.memref_squeeze %dma_wait3A_652 : memref<1x1024xf32, #tpu.memory_space<hbm>> -> memref<1024xf32, #tpu.memory_space<hbm>>
        tpu.wait_dma2 semaphore(%run_scoped3A : memref<!tpu.dma_semaphore, #tpu.memory_space<semaphore_mem>>) src(%arg7 : memref<1024xf32, #tpu.memory_space<vmem>>) dst(%dma_wait3A_653 : memref<1024xf32, #tpu.memory_space<hbm>>)
        tpu.yield
      }) : () -> ()
    } else {
    }
    return
  }
}

</mosaic_0001>

<sc_bundles>
// kernel: kernel.3.cloned.1.call-start
scs
__scs_entry_jumppad:
0x0: {  	(pc) =	sbr.rel $0x88, $3  }
0x1: {  	(tag) =	ssettag $0x0;
	lr =	simm.s32 $0x1  }
0x2: {  	[smem:$0x3F9F] =	sst lr;
	_ =	strace $0xD0000000  }
0x3: {  	_ = 	snop  }
0x4: {  	_ = 	snop  }
0x5: {  	_ = 	snop  }
0x6: {  	_ = 	snop  }
0x7: {  	_ = 	snop  }
__scs_overlays_trampoline_lowered:
0x8: {  	[smem:$0x3FAE] =	sst s0  }
0x9: {  	[smem:$0x3FAF] =	sst s1  }
0xa: {  	[smem:$0x3FB0] =	sst s2  }
0xb: {  	[smem:$0x3FB1] =	sst s3  }
0xc: {  	[smem:$0x3FB2] =	sst s4  }
0xd: {  	[smem:$0x3FB3] =	sst s5  }
0xe: {  	[smem:$0x3FB4] =	sst s6  }
0xf: {  	[smem:$0x3FB5] =	sst s7  }
0x10: {  	[smem:$0x3FB6] =	sst s8  }
0x11: {  	[smem:$0x3FB7] =	sst s9;
	s0 =	simm.s32 @!p0 $0x0  }
0x12: {  	s1 =	sld [smem:$0x3F9D];
	s0 =	simm.s32 @p0 $0x1  }
0x13: {  	[smem:$0x3FB8] =	sst s0;
	s0 =	simm.s32 @!p1 $0x0  }
0x14: {  	s2 =	sld [smem:$0x3F9C];
	s0 =	simm.s32 @p1 $0x1  }
0x15: {  	[smem:$0x3FB9] =	sst s0;
	s0 =	simm.s32 @!p2 $0x0  }
0x16: {  	s3 =	sld [smem:$0x3FDB];
	s0 =	simm.s32 @p2 $0x1  }
0x17: {  	s4 =	simm.s32 $0x1BF5;
	[smem:$0x3FBB] =	sst s0  }
0x18: {  	s0 =	sld [smem:$0x3F9E];
	_ =	swait.ge [sflag:s4], $0x0  }
0x19: {  	s7 =	sld [smem:$0x3F9F]  }
0x1a: {  	s8 =	sadd.s32 $0xFFFFE003, lr  }
0x1b: {  	s9 =	sadd.s32 $0xFFFFFEF7, lr;
	s5 =	simm.s32 $0xFFFFFFFF;
	p2 =	slt.u32 s8, $0xFFFFF086  }
0x1c: {  	p1 =	slt.u32 s9, $0xF7A;
	s5 =	simm.s32 @!p2 $0x0  }
0x1d: {  	s5 =	simm.s32 @p1 $0x1;
	p0 =	seq.s32 s7, s2  }
0x1e: {  	s7 =	smul.u32 @!p0 $0xF7A, s2;
	p2 =	seq.s32 @!p0 s5, $0x0  }
0x1f: {  	s9 =	smul.u32 $0xF7A, s1;
	s8 =	simm.s32 @!p0 $0x1BF5;
	p2 =	por !p2, p0  }
0x20: {  	[sflag:s8] =	ssyncset.s32 @!p0 $0xFFFFF086;
	s6 =	sadd.s32 @!p0 s3, s7;
	s7 =	simm.s32 @!p0 $0x108  }
0x21: {  	s3 =	sadd.s32 s3, s9;
	s6 =	sadd.s32 @!p0 $0x88, s6;
	s7 =	simm.s32 @p2 $0x1082  }
0x22: {  	[simem:s7], [sflag:s8] =	dma.local @!p0 [hbm:s6], $0xF7A  }
0x23: {  	s9 =	sor.u32 $0xD0000000, s2;
	s6 =	simm.s32 $0x108;
	_ =	swait.ge @!p0 [sflag:s8], $0x0  }
0x24: {  	s3 =	sadd.s32 $0x88, s3;
	s6 =	simm.s32 @!p1 $0x1082;
	[sflag:s4] =	ssyncset.s32 $0xFFFFF086  }
0x25: {  	[simem:s6], [sflag:s4] =	dma.local [hbm:s3], $0xF7A  }
0x26: {  	[smem:$0x3F9F] =	sst s1;
	(tag) =	ssettag s2;
	_ =	strace s9  }
0x27: {  	s1 =	sld [smem:$0x3FAF]  }
0x28: {  	s2 =	sld [smem:$0x3FB0]  }
0x29: {  	s4 =	sld [smem:$0x3FB2]  }
0x2a: {  	p0 =	seq.s32 s5, $0x0;
	s5 =	sld [smem:$0x3FB3]  }
0x2b: {  	s6 =	sld [smem:$0x3FB4]  }
0x2c: {  	s7 =	sld [smem:$0x3FB5]  }
0x2d: {  	s3 =	simm.s32 $0x108;
	s8 =	sld [smem:$0x3FB6]  }
0x2e: {  	s3 =	simm.s32 @!p0 $0x1082;
	s9 =	sld [smem:$0x3FB7]  }
0x2f: {  	lr =	sadd.s32 s0, s3;
	s0 =	sld [smem:$0x3FAE]  }
0x30: {  	s3 =	sld [smem:$0x3FB1]  }
0x31: {  	[smem:$0x3FBA] =	sst s10  }
0x32: {  	s10 =	sld [smem:$0x3FB8];
	_ =	sdelay $0x3  }
0x33: {  	p0 =	seq.s32 s10, $0x1;
	s10 =	sld [smem:$0x3FBA];
	_ =	sdelay $0x3  }
0x34: {  	[smem:$0x3FBA] =	sst s10  }
0x35: {  	s10 =	sld [smem:$0x3FB9];
	_ =	sdelay $0x3  }
0x36: {  	p1 =	seq.s32 s10, $0x1;
	s10 =	sld [smem:$0x3FBA];
	_ =	sdelay $0x3  }
0x37: {  	[smem:$0x3FBA] =	sst s10  }
0x38: {  	s10 =	sld [smem:$0x3FBB]  }
0x39: {  	_ = 	snop;
	(pc) =	sbr.ind lr, $3  }
0x3a: {  	_ = 	snop  }
0x3b: {  	_ = 	snop  }
0x3c: {  	p2 =	seq.s32 s10, $0x1;
	s10 =	sld [smem:$0x3FBA]  }
0x3d: {  	_ =	shalt  }
0x3e: {  	_ =	shalt  }
0x3f: {  	_ =	shalt  }
0x40: {  	_ =	shalt  }
0x41: {  	_ =	shalt  }
0x42: {  	_ =	shalt  }
0x43: {  	_ =	shalt  }
0x44: {  	_ =	shalt  }
0x45: {  	_ =	shalt  }
0x46: {  	_ =	shalt  }
0x47: {  	_ =	shalt  }
0x48: {  	_ =	shalt  }
0x49: {  	_ =	shalt  }
0x4a: {  	_ =	shalt  }
0x4b: {  	_ =	shalt  }
0x4c: {  	_ =	shalt  }
0x4d: {  	_ =	shalt  }
0x4e: {  	_ =	shalt  }
0x4f: {  	_ =	shalt  }
0x50: {  	_ =	shalt  }
0x51: {  	_ =	shalt  }
0x52: {  	_ =	shalt  }
0x53: {  	_ =	shalt  }
0x54: {  	_ =	shalt  }
0x55: {  	_ =	shalt  }
0x56: {  	_ =	shalt  }
0x57: {  	_ =	shalt  }
0x58: {  	_ =	shalt  }
0x59: {  	_ =	shalt  }
0x5a: {  	_ =	shalt  }
0x5b: {  	_ =	shalt  }
0x5c: {  	_ =	shalt  }
0x5d: {  	_ =	shalt  }
0x5e: {  	_ =	shalt  }
0x5f: {  	_ =	shalt  }
0x60: {  	_ =	shalt  }
0x61: {  	_ =	shalt  }
0x62: {  	_ =	shalt  }
0x63: {  	_ =	shalt  }
0x64: {  	_ =	shalt  }
0x65: {  	_ =	shalt  }
0x66: {  	_ =	shalt  }
0x67: {  	_ =	shalt  }
0x68: {  	_ =	shalt  }
0x69: {  	_ =	shalt  }
0x6a: {  	_ =	shalt  }
0x6b: {  	_ =	shalt  }
0x6c: {  	_ =	shalt  }
0x6d: {  	_ =	shalt  }
0x6e: {  	_ =	shalt  }
0x6f: {  	_ =	shalt  }
0x70: {  	_ =	shalt  }
0x71: {  	_ =	shalt  }
0x72: {  	_ =	shalt  }
0x73: {  	_ =	shalt  }
0x74: {  	_ =	shalt  }
0x75: {  	_ =	shalt  }
0x76: {  	_ =	shalt  }
0x77: {  	_ =	shalt  }
0x78: {  	_ =	shalt  }
0x79: {  	_ =	shalt  }
0x7a: {  	_ =	shalt  }
0x7b: {  	_ =	shalt  }
0x7c: {  	_ =	shalt  }
0x7d: {  	_ =	shalt  }
0x7e: {  	_ =	shalt  }
0x7f: {  	_ =	shalt  }
0x80: {  	_ =	shalt  }
0x81: {  	_ =	shalt  }
0x82: {  	_ =	shalt  }
0x83: {  	_ =	shalt  }
0x84: {  	_ =	shalt  }
0x85: {  	_ =	shalt  }
0x86: {  	_ =	shalt  }
0x87: {  	_ =	shalt  }
.Lfunc_end0:
.L_simem_size_0:
called_computation_lowered:
.L_overlay_start_0:
0x88: {  	s0 =	sld [smem:$0x3FD9]  }
0x89: {  	s1 =	sld [smem:$0x3FFE];
	_ =	sdelay $0x3  }
0x8a: {  	s0 =	sadd.s32 s1, s0  }
0x8b: {  	[smem:$0x3FC6] =	sst s0  }
0x8c: {  	_ = 	snop  }
0x8d: {  	s0 =	sld [smem:$0x3FC9]  }
0x8e: {  	s17 =	sld [smem:$0x3FC8]  }
0x8f: {  	s2 =	sld [smem:$0x3FD0];
	(tm) =	ssettm $0x1  }
0x90: {  	s3 =	sld [smem:$0x3FFB];
	_ =	sdelay $0x3  }
0x91: {  	_ =	strace s3  }
0x92: {  	s3 =	sld [smem:$0x3FFC];
	_ =	sdelay $0x3  }
0x93: {  	_ =	strace s3  }
0x94: {  	s3 =	sld [smem:$0x3FFD];
	_ =	sdelay $0x3  }
0x95: {  	_ =	strace s3  }
0x96: {  	_ =	strace $0x8FFFFFFF  }
0x97: {  	s18 =	sld [smem:$0x3FDB];
	_ =	sdelay $0x1  }
0x98: {  	s4 =	simm.s32 $_scs_section_size  }
0x99: {  	s5 =	simm.s32 $_size__tile_overlayer_lowered;
	s6 =	simm.s32 $_tile_overlayer_lowered  }
0x9a: {  	s21 =	simm.s32 $0x1BFF;
	s20 =	sshll.u32 s6, $0x1;
	s3 =	sadd.s32 s4, s18  }
0x9b: {  	s7 =	simm.s32 $0x0;
	s19 =	sshll.u32 s5, $0x1;
	s5 =	sadd.s32 s20, s3  }
0x9c: {  	[timem:s7], [sflag:s21] =	dma.local [hbm:s5], s19  }
0x9d: {  	_ =	swait.ge [sflag:s21], s19  }
0x9e: {  	s4 =	ssub.s32 $0x0, s19;
	[sflag:s21] =	ssyncset.done $0x0  }
0x9f: {  	[sflag:s21] =	ssyncadd.s32 s4;
	_ =	sdelay $0x1  }
0xa0: {  	s22 =	simm.s32 $0x1B8B  }
0xa1: {  	_ =	swait.ge [sflag:s22], $0x1  }
0xa2: {  	[sflag:s22] =	ssyncset.done $0x0  }
0xa3: {  	s23 =	simm.s32 $0x1B8E;
	[sflag:s22] =	ssyncadd.s32 $0xFFFFFFFF  }
0xa4: {  	s24 =	simm.s32 $execute0_lowered;
	[smem:$0x3FD2] =	sst s23  }
0xa5: {  	s4 =	sshll.u32 s24, $0x1;
	_ =	strace $0x80000046;
	[dreg:$0x1] =	wrdreg $0xFFFFFFFF  }
0xa6: {  	s25 =	simm.s32 $_size_execute0_lowered;
	s3 =	sadd.s32 s3, s4;
	[dreg:$0x0] =	wrdreg $0x0  }
0xa7: {  	s4 =	sshll.u32 s25, $0x1;
	[dreg:$0x2] =	wrdreg s3  }
0xa8: {  	[dreg:$0x3] =	wrdreg s4  }
0xa9: {  	[dreg:$0x4] =	wrdreg $0xC0  }
0xaa: {  	_ =	task [dreg:s7], $0x5FFFF  }
0xab: {  	[dreg:$0x1] =	wrdreg $0xFFFFFFFF  }
0xac: {  	[dreg:$0x0] =	wrdreg $0x60  }
0xad: {  	[dreg:$0x2] =	wrdreg s17  }
0xae: {  	[dreg:$0x3] =	wrdreg s0  }
0xaf: {  	[dreg:$0x4] =	wrdreg s2  }
0xb0: {  	[dreg:$0x5] =	wrdreg $0x9  }
0xb1: {  	_ =	task.clear_ibuf [dreg:s7], $0x6FFFF;
	_ =	strace $0x90000046  }
0xb2: {  	s26 =	simm.s32 $0x9;
	_ =	strace $0x80000048  }
0xb3: {  	_ =	swait.ge [sflag:s26], $0x1  }
0xb4: {  	[sflag:s26] =	ssyncadd.s32 $0xFFFFFFFF  }
0xb5: {  	_ =	strace $0x90000048  }
0xb6: {  	_ =	sfence  }
0xb7: {  	s28 =	sld [smem:$0x0];
	_ =	sdelay $0x1  }
0xb8: {  	s29 =	srdreg.scid  }
0xb9: {  	s30 =	sshll.u32 s29, $0xD;
	s31 =	sshrl.u32 s29, $0x2  }
0xba: {  	s1 =	sand.u32 $0x1, s29;
	s2 =	sand.u32 $0x4000, s30;
	s0 =	sadd.s32 s31, s28  }
0xbb: {  	s1 =	sor.u32 s2, s1;
	s0 =	sshll.u32 s0, $0x11  }
0xbc: {  	s0 =	sor.u32 s0, s1  }
0xbd: {  	s0 =	sadd.s32 $0x8F2B, s0  }
0xbe: {  	[sflag:s0] =	ssyncadd.remote.s32 $0x1  }
0xbf: {  	_ =	sfence.sel $0xFFFF  }
0xc0: {  	[dreg:$0x0] =	wrdreg $0xFFFFFFFF;
	(pc) =	sbr.abs _section_cstart, $3  }
0xc1: {  	[dreg:$0x1] =	wrdreg $0xFFFFFFFF  }
0xc2: {  	_ =	task.clear_ibuf [dreg:s7], $0x2FFFF;
	_ =	strace $0x9FFFFFFF  }
0xc3: {  	(tm) =	ssettm $0x7FFFFFFF  }
tec
execute0_lowered:
.L_overlay_start_1:
0x0: {  	(tag) =	ssettag $0x1  }
0x1: {  	s1 =	stileid.u32  }
0x2: {  	p0 =	sgt.u32 s1, $0x3  }
.Ltmp0:
0x3: {  	s5 =	rddreg [dreg:$0x0];
	(pc) =	sbr.rel @p0 .LBB2_4-.Ltmp0, $4  }
0x4: {  	s3 =	rddreg [dreg:$0x1]  }
0x5: {  	s2 =	rddreg [dreg:$0x2];
	s4 =	simm.s32 $0x0  }
0x6: {  	[smem:$0x7FF] =	sst s4  }
0x7: {  	s0 =	rddreg [dreg:$0x3];
	_ =	strace $0x80000047  }
0x8: {  	s6 =	sshll.u32 s1, $0x4;
	s7 =	simm.s32 $0x80  }
0x9: {  	s8 =	simm.s32 $0x200;
	s26 =	simm.s32 $0x1;
	s5 =	sadd.s32 s5, s6  }
0xa: {  	[tilespmem:s4], [sflag:$0x1] =	stream.strided.gather [hbm4b:s5+s7], $0x2000, s8, s7, $0x38;
	[tilespmem:$0x2800] =	vst v63  }
0xb: {  	_ =	swait.ge [sflag:s26], $0x2000  }
0xc: {  	[sflag:s26] =	ssyncset.done $0x0  }
0xd: {  	s28 =	simm.s32 $0x20;
	[sflag:s26] =	ssyncadd.s32 $0xFFFFE000  }
0xe: {  	v2 =	vld [tilespmem:s28+$0xFFFFFFE0]  }
0xf: {  	v4 =	vld [tilespmem:s28+$0x0]  }
0x10: {  	v3 =	vld [tilespmem:s28+$0xFFFFFFF0]  }
0x11: {  	v0 =	vlaneseq.u32;
	v5 =	vld [tilespmem:s28+$0x10]  }
0x12: {  	v1 =	vimm.s32 $0x40000000;
	s29 =	simm.s32 $0x10;
	s30 =	simm.s32 $0x20;
	v6 =	vor.u32 s4, v0  }
0x13: {  	s31 =	simm.s32 $0x30;
	v7 =	vor.u32 s29, v0;
	v8 =	vor.u32 s30, v0;
	vm0 =	veq.s32 v2, $0x65  }
0x14: {  	v11 =	vor.u32 s31, v0;
	s5 =	simm.s32 $0x60;
	vm1 =	veq.s32 v4, $0x65;
	v2 =	vnsel vm0, $0x40000000, v6  }
0x15: {  	v4 =	vld [tilespmem:s5+$0xFFFFFFF0];
	vm0 =	veq.s32 v3, $0x65;
	v10 =	vnsel vm1, $0x40000000, v8;
	v8 =	vimm.s32 $0x40000000  }
0x16: {  	v3 =	vld [tilespmem:s5+$0xFFFFFFE0];
	vm2 =	vlt.s32 v1, v2;
	v9 =	vnsel vm0, $0x40000000, v7;
	vm0 =	veq.s32 v5, $0x65  }
0x17: {  	s2 =	sadd.s32 s2, s6;
	v5 =	vld [tilespmem:s5+$0x0];
	vm1 =	vlt.s32 v1, v10;
	v7 =	vimm.s32 $0x40000000;
	v11 =	vnsel vm0, $0x40000000, v11  }
0x18: {  	s6 =	simm.s32 $0x40;
	s4 =	sshll.u32 s1, $0x17;
	s7 =	simm.s32 $0x80;
	v6 =	vld [tilespmem:s5+$0x10];
	v2 =	vsel vm2, v1, v2;
	vm0 =	vlt.s32 v1, v9;
	vm2 =	vlt.s32 v1, v11  }
.LBB2_2:
0x19: {  	p0 =	sne.s32 s7, $0x1FC0;
	s8 =	sadd.s32 $0x10, s6;
	v1 =	vsel vm0, v1, v9;
	v7 =	vsel vm1, v7, v10;
	v8 =	vsel vm2, v8, v11  }
0x1a: {  	v9 =	vor.u32 s6, v0;
	s9 =	sadd.s32 $0x30, s6;
	v10 =	vor.u32 s8, v0;
	s8 =	sadd.s32 $0x20, s6;
	s6 =	smov.u32 s7  }
.Ltmp1:
0x1b: {  	s5 =	sadd.s32 $0x40, s5;
	vm0 =	veq.s32 v3, $0x65;
	v12 =	vor.u32 s9, v0;
	v11 =	vor.u32 s8, v0;
	(pc) =	sbr.rel @p0 .LBB2_2-.Ltmp1, $4  }
0x1c: {  	v13 =	vnsel vm0, $0x40000000, v9;
	vm0 =	veq.s32 v4, $0x65;
	v3 =	vld [tilespmem:s5+$0xFFFFFFE0];
	vm1 =	veq.s32 v5, $0x65  }
0x1d: {  	vm2 =	vlt.s32 v2, v13;
	v9 =	vnsel vm0, $0x40000000, v10;
	v4 =	vld [tilespmem:s5+$0xFFFFFFF0];
	vm0 =	veq.s32 v6, $0x65  }
0x1e: {  	v2 =	vsel vm2, v2, v13;
	v10 =	vnsel vm1, $0x40000000, v11;
	v5 =	vld [tilespmem:s5+$0x0];
	v11 =	vnsel vm0, $0x40000000, v12  }
0x1f: {  	s7 =	sadd.s32 $0x40, s7;
	vm0 =	vlt.s32 v1, v9;
	vm1 =	vlt.s32 v7, v10;
	v6 =	vld [tilespmem:s5+$0x10];
	vm2 =	vlt.s32 v8, v11  }
0x20: {  	s5 =	sadd.s32 $0x10, s6;
	v1 =	vsel vm0, v1, v9;
	v7 =	vsel vm1, v7, v10  }
0x21: {  	v8 =	vsel vm2, v8, v11;
	v42 =	vor.u32 s6, v0;
	s21 =	sadd.s32 $0x20, s6;
	v43 =	vor.u32 s5, v0  }
0x22: {  	s22 =	sadd.s32 $0x30, s6;
	vm9 =	veq.s32 v3, $0x65;
	v44 =	vor.u32 s21, v0;
	vm10 =	veq.s32 v4, $0x65  }
0x23: {  	v45 =	vor.u32 s22, v0;
	v46 =	vnsel vm9, $0x40000000, v42;
	v47 =	vnsel vm10, $0x40000000, v43  }
0x24: {  	vm11 =	veq.s32 v5, $0x65;
	vm12 =	vlt.s32 v2, v46;
	vm13 =	vlt.s32 v1, v47  }
0x25: {  	v2 =	vsel vm12, v2, v46;
	v3 =	vnsel vm11, $0x40000000, v44;
	v1 =	vsel vm13, v1, v47  }
0x26: {  	vm14 =	veq.s32 v6, $0x65;
	vm15 =	vlt.s32 v7, v3;
	vm2 =	vlt.s32 v2, v1  }
0x27: {  	v0 =	vnsel vm14, $0x40000000, v45;
	v3 =	vsel vm15, v7, v3;
	v1 =	vsel vm2, v2, v1  }
0x28: {  	vm0 =	vlt.s32 v8, v0;
	vm1 =	vlt.s32 v1, v3  }
0x29: {  	v0 =	vsel vm0, v8, v0;
	v1 =	vsel vm1, v1, v3  }
0x2a: {  	vm0 =	vlt.s32 v1, v0  }
0x2b: {  	v0 =	vsel vm0, v1, v0  }
0x2c: {  	(v2sf) =	vpush v0, $0x0  }
0x2d: {  	(v2sf) =	vpush v0, $0x1;
	_ =	sdelay $0x1  }
0x2e: {  	(v2sf) =	vpush v0, $0x2;
	_ =	sdelay $0x1  }
0x2f: {  	(v2sf) =	vpush v0, $0x3;
	_ =	sdelay $0x1  }
0x30: {  	(v2sf) =	vpush v0, $0x4;
	_ =	sdelay $0x1  }
0x31: {  	(v2sf) =	vpush v0, $0x5;
	_ =	sdelay $0x1  }
0x32: {  	(v2sf) =	vpush v0, $0x6;
	_ =	sdelay $0x1  }
0x33: {  	(v2sf) =	vpush v0, $0x7;
	_ =	sdelay $0x1  }
0x34: {  	s5 =	spop (v2sf);
	(v2sf) =	vpush v0, $0x8  }
0x35: {  	s6 =	spop (v2sf)  }
0x36: {  	(v2sf) =	vpush v0, $0x9;
	p0 =	slt.s32 s5, s6  }
0x37: {  	s6 =	smov.u32 @p0 s5;
	s5 =	spop (v2sf)  }
0x38: {  	(v2sf) =	vpush v0, $0xA;
	p0 =	slt.s32 s6, s5  }
0x39: {  	s5 =	smov.u32 @p0 s6;
	s6 =	spop (v2sf)  }
0x3a: {  	(v2sf) =	vpush v0, $0xB;
	p0 =	slt.s32 s5, s6  }
0x3b: {  	s6 =	smov.u32 @p0 s5;
	s5 =	spop (v2sf)  }
0x3c: {  	(v2sf) =	vpush v0, $0xC;
	p0 =	slt.s32 s6, s5  }
0x3d: {  	s5 =	smov.u32 @p0 s6;
	s6 =	spop (v2sf)  }
0x3e: {  	(v2sf) =	vpush v0, $0xD;
	p0 =	slt.s32 s5, s6  }
0x3f: {  	s6 =	smov.u32 @p0 s5;
	s5 =	spop (v2sf)  }
0x40: {  	(v2sf) =	vpush v0, $0xE;
	p0 =	slt.s32 s6, s5  }
0x41: {  	s5 =	smov.u32 @p0 s6;
	s6 =	spop (v2sf)  }
0x42: {  	(v2sf) =	vpush v0, $0xF;
	p0 =	slt.s32 s5, s6  }
0x43: {  	s6 =	smov.u32 @p0 s5;
	s5 =	spop (v2sf)  }
0x44: {  	p0 =	slt.s32 s6, s5  }
0x45: {  	s5 =	smov.u32 @p0 s6;
	s6 =	spop (v2sf)  }
0x46: {  	p0 =	slt.s32 s5, s6  }
0x47: {  	s6 =	smov.u32 @p0 s5;
	s5 =	spop (v2sf)  }
0x48: {  	p0 =	slt.s32 s6, s5  }
0x49: {  	s5 =	smov.u32 @p0 s6;
	s6 =	spop (v2sf)  }
0x4a: {  	p0 =	slt.s32 s5, s6  }
0x4b: {  	s6 =	smov.u32 @p0 s5;
	s5 =	spop (v2sf)  }
0x4c: {  	p0 =	slt.s32 s6, s5  }
0x4d: {  	s5 =	smov.u32 @p0 s6;
	s6 =	spop (v2sf)  }
0x4e: {  	p0 =	slt.s32 s5, s6  }
0x4f: {  	s6 =	smov.u32 @p0 s5;
	s5 =	spop (v2sf)  }
0x50: {  	p0 =	slt.s32 s6, s5  }
0x51: {  	s5 =	smov.u32 @p0 s6;
	s6 =	spop (v2sf)  }
0x52: {  	p0 =	slt.s32 s5, s6  }
0x53: {  	s6 =	smov.u32 @p0 s5  }
0x54: {  	p1 =	slt.s32 s6, $0x1FFF  }
0x55: {  	p0 =	slt.s32 s6, $0x40000000;
	s6 =	simm.s32 @!p1 $0x1FFF  }
0x56: {  	s23 =	sshll.u32 s6, $0xA  }
0x57: {  	s24 =	sshll.u32 s6, $0x7;
	s4 =	sadd.s32 s4, s23  }
0x58: {  	s5 =	sand.u32 $0x380, s24;
	s4 =	sand.u32 $0xFFFFE000, s4  }
0x59: {  	s4 =	sor.u32 s5, s4  }
0x5a: {  	s25 =	simm.s32 $0x80;
	s26 =	simm.s32 $0x400;
	s4 =	sshrl.u32 s4, $0x3  }
0x5b: {  	s28 =	simm.s32 $0x2000;
	s29 =	simm.s32 $0x1;
	s4 =	sadd.s32 s3, s4  }
0x5c: {  	[tilespmem:s28], [sflag:$0x1] =	stream.strided.gather [hbm4b:s4+s25], $0x400, s26, s25, $0x38;
	[tilespmem:$0x2800] =	vst v63  }
0x5d: {  	_ =	swait.ge [sflag:s29], $0x400  }
0x5e: {  	[sflag:s29] =	ssyncset.done $0x0  }
0x5f: {  	[sflag:s29] =	ssyncadd.s32 $0xFFFFFC00  }
0x60: {  	v48 =	vld [tilespmem:$0x2000]  }
0x61: {  	v49 =	vld [tilespmem:$0x2010]  }
0x62: {  	v50 =	vld [tilespmem:$0x2020]  }
0x63: {  	s5 =	simm.f32 $1.000000000e+00;
	v51 =	vld [tilespmem:$0x2030]  }
0x64: {  	s5 =	simm.s32 @!p0 $0x0;
	v52 =	vld [tilespmem:$0x2040]  }
0x65: {  	v53 =	vld [tilespmem:$0x2050];
	v0 =	vmul.f32 s5, v48  }
0x66: {  	v54 =	vld [tilespmem:$0x2060];
	v1 =	vmul.f32 s5, v49  }
0x67: {  	v56 =	vld [tilespmem:$0x2070];
	v55 =	vmul.f32 s5, v50;
	[tilespmem:$0x2400] =	vst v0  }
0x68: {  	v58 =	vld [tilespmem:$0x2080];
	v57 =	vmul.f32 s5, v51;
	[tilespmem:$0x2410] =	vst v1  }
0x69: {  	v60 =	vld [tilespmem:$0x2090];
	v59 =	vmul.f32 s5, v52;
	[tilespmem:$0x2420] =	vst v55  }
0x6a: {  	v62 =	vld [tilespmem:$0x20A0];
	v61 =	vmul.f32 s5, v53;
	[tilespmem:$0x2430] =	vst v57  }
0x6b: {  	v9 =	vld [tilespmem:$0x20B0];
	v63 =	vmul.f32 s5, v54;
	[tilespmem:$0x2440] =	vst v59  }
0x6c: {  	v11 =	vld [tilespmem:$0x20C0];
	v10 =	vmul.f32 s5, v56;
	[tilespmem:$0x2450] =	vst v61  }
0x6d: {  	v13 =	vld [tilespmem:$0x20D0];
	v12 =	vmul.f32 s5, v58;
	[tilespmem:$0x2460] =	vst v63  }
0x6e: {  	v15 =	vld [tilespmem:$0x20E0];
	v14 =	vmul.f32 s5, v60;
	[tilespmem:$0x2470] =	vst v10  }
0x6f: {  	v17 =	vld [tilespmem:$0x20F0];
	v16 =	vmul.f32 s5, v62;
	[tilespmem:$0x2480] =	vst v12  }
0x70: {  	v19 =	vld [tilespmem:$0x2100];
	v18 =	vmul.f32 s5, v9;
	[tilespmem:$0x2490] =	vst v14  }
0x71: {  	v21 =	vld [tilespmem:$0x2110];
	v20 =	vmul.f32 s5, v11;
	[tilespmem:$0x24A0] =	vst v16  }
0x72: {  	v23 =	vld [tilespmem:$0x2120];
	v22 =	vmul.f32 s5, v13;
	[tilespmem:$0x24B0] =	vst v18  }
0x73: {  	v25 =	vld [tilespmem:$0x2130];
	v24 =	vmul.f32 s5, v15;
	[tilespmem:$0x24C0] =	vst v20  }
0x74: {  	v27 =	vld [tilespmem:$0x2140];
	v26 =	vmul.f32 s5, v17;
	[tilespmem:$0x24D0] =	vst v22  }
0x75: {  	v29 =	vld [tilespmem:$0x2150];
	v28 =	vmul.f32 s5, v19;
	[tilespmem:$0x24E0] =	vst v24  }
0x76: {  	v31 =	vld [tilespmem:$0x2160];
	v30 =	vmul.f32 s5, v21;
	[tilespmem:$0x24F0] =	vst v26  }
0x77: {  	v33 =	vld [tilespmem:$0x2170];
	v32 =	vmul.f32 s5, v23;
	[tilespmem:$0x2500] =	vst v28  }
0x78: {  	v35 =	vld [tilespmem:$0x2180];
	v34 =	vmul.f32 s5, v25;
	[tilespmem:$0x2510] =	vst v30  }
0x79: {  	v37 =	vld [tilespmem:$0x2190];
	v36 =	vmul.f32 s5, v27;
	[tilespmem:$0x2520] =	vst v32  }
0x7a: {  	v39 =	vld [tilespmem:$0x21A0];
	v38 =	vmul.f32 s5, v29;
	[tilespmem:$0x2530] =	vst v34  }
0x7b: {  	v41 =	vld [tilespmem:$0x21B0];
	v40 =	vmul.f32 s5, v31;
	[tilespmem:$0x2540] =	vst v36  }
0x7c: {  	v43 =	vld [tilespmem:$0x21C0];
	v42 =	vmul.f32 s5, v33;
	[tilespmem:$0x2550] =	vst v38  }
0x7d: {  	v45 =	vld [tilespmem:$0x21D0];
	v44 =	vmul.f32 s5, v35;
	[tilespmem:$0x2560] =	vst v40  }
0x7e: {  	v47 =	vld [tilespmem:$0x21E0];
	v46 =	vmul.f32 s5, v37;
	[tilespmem:$0x2570] =	vst v42  }
0x7f: {  	v48 =	vmul.f32 s5, v39;
	v49 =	vld [tilespmem:$0x21F0];
	[tilespmem:$0x2580] =	vst v44  }
0x80: {  	v50 =	vmul.f32 s5, v41;
	v51 =	vld [tilespmem:$0x2200];
	[tilespmem:$0x2590] =	vst v46  }
0x81: {  	v52 =	vmul.f32 s5, v43;
	v53 =	vld [tilespmem:$0x2210];
	[tilespmem:$0x25A0] =	vst v48  }
0x82: {  	v54 =	vmul.f32 s5, v45;
	[tilespmem:$0x25B0] =	vst v50;
	v55 =	vld [tilespmem:$0x2220]  }
0x83: {  	v56 =	vmul.f32 s5, v47;
	[tilespmem:$0x25C0] =	vst v52;
	v57 =	vld [tilespmem:$0x2230]  }
0x84: {  	[tilespmem:$0x25D0] =	vst v54;
	v59 =	vld [tilespmem:$0x2240];
	v58 =	vmul.f32 s5, v49  }
0x85: {  	[tilespmem:$0x25E0] =	vst v56;
	v61 =	vld [tilespmem:$0x2250];
	v60 =	vmul.f32 s5, v51  }
0x86: {  	v63 =	vld [tilespmem:$0x2260];
	v62 =	vmul.f32 s5, v53;
	[tilespmem:$0x25F0] =	vst v58  }
0x87: {  	v10 =	vld [tilespmem:$0x2270];
	[tilespmem:$0x2600] =	vst v60;
	v9 =	vmul.f32 s5, v55  }
0x88: {  	v12 =	vld [tilespmem:$0x2280];
	[tilespmem:$0x2610] =	vst v62;
	v11 =	vmul.f32 s5, v57  }
0x89: {  	v14 =	vld [tilespmem:$0x2290];
	v13 =	vmul.f32 s5, v59;
	[tilespmem:$0x2620] =	vst v9  }
0x8a: {  	v16 =	vld [tilespmem:$0x22A0];
	v15 =	vmul.f32 s5, v61;
	[tilespmem:$0x2630] =	vst v11  }
0x8b: {  	v18 =	vld [tilespmem:$0x22B0];
	v17 =	vmul.f32 s5, v63;
	[tilespmem:$0x2640] =	vst v13  }
0x8c: {  	v20 =	vld [tilespmem:$0x22C0];
	v19 =	vmul.f32 s5, v10;
	[tilespmem:$0x2650] =	vst v15  }
0x8d: {  	v22 =	vld [tilespmem:$0x22D0];
	v21 =	vmul.f32 s5, v12;
	[tilespmem:$0x2660] =	vst v17  }
0x8e: {  	v24 =	vld [tilespmem:$0x22E0];
	v23 =	vmul.f32 s5, v14;
	[tilespmem:$0x2670] =	vst v19  }
0x8f: {  	v26 =	vld [tilespmem:$0x22F0];
	v25 =	vmul.f32 s5, v16;
	[tilespmem:$0x2680] =	vst v21  }
0x90: {  	v28 =	vld [tilespmem:$0x2300];
	v27 =	vmul.f32 s5, v18;
	[tilespmem:$0x2690] =	vst v23  }
0x91: {  	v30 =	vld [tilespmem:$0x2310];
	v29 =	vmul.f32 s5, v20;
	[tilespmem:$0x26A0] =	vst v25  }
0x92: {  	v32 =	vld [tilespmem:$0x2320];
	v31 =	vmul.f32 s5, v22;
	[tilespmem:$0x26B0] =	vst v27  }
0x93: {  	v34 =	vld [tilespmem:$0x2330];
	v33 =	vmul.f32 s5, v24;
	[tilespmem:$0x26C0] =	vst v29  }
0x94: {  	v36 =	vld [tilespmem:$0x2340];
	v35 =	vmul.f32 s5, v26;
	[tilespmem:$0x26D0] =	vst v31  }
0x95: {  	v38 =	vld [tilespmem:$0x2350];
	v37 =	vmul.f32 s5, v28;
	[tilespmem:$0x26E0] =	vst v33  }
0x96: {  	v40 =	vld [tilespmem:$0x2360];
	v39 =	vmul.f32 s5, v30;
	[tilespmem:$0x26F0] =	vst v35  }
0x97: {  	v42 =	vld [tilespmem:$0x2370];
	v41 =	vmul.f32 s5, v32;
	[tilespmem:$0x2700] =	vst v37  }
0x98: {  	v44 =	vld [tilespmem:$0x2380];
	v43 =	vmul.f32 s5, v34;
	[tilespmem:$0x2710] =	vst v39  }
0x99: {  	v46 =	vld [tilespmem:$0x2390];
	v45 =	vmul.f32 s5, v36;
	[tilespmem:$0x2720] =	vst v41  }
0x9a: {  	v48 =	vld [tilespmem:$0x23A0];
	v47 =	vmul.f32 s5, v38;
	[tilespmem:$0x2730] =	vst v43  }
0x9b: {  	v50 =	vld [tilespmem:$0x23B0];
	v49 =	vmul.f32 s5, v40;
	[tilespmem:$0x2740] =	vst v45  }
0x9c: {  	v52 =	vld [tilespmem:$0x23C0];
	v51 =	vmul.f32 s5, v42;
	[tilespmem:$0x2750] =	vst v47  }
0x9d: {  	v54 =	vld [tilespmem:$0x23D0];
	v53 =	vmul.f32 s5, v44;
	[tilespmem:$0x2760] =	vst v49  }
0x9e: {  	v56 =	vld [tilespmem:$0x23E0];
	v55 =	vmul.f32 s5, v46;
	[tilespmem:$0x2770] =	vst v51  }
0x9f: {  	v57 =	vmul.f32 s5, v48;
	v58 =	vld [tilespmem:$0x23F0];
	[tilespmem:$0x2780] =	vst v53  }
0xa0: {  	v59 =	vmul.f32 s5, v50;
	[tilespmem:$0x2790] =	vst v55  }
0xa1: {  	v60 =	vmul.f32 s5, v52;
	[tilespmem:$0x27A0] =	vst v57  }
0xa2: {  	v61 =	vmul.f32 s5, v54;
	[tilespmem:$0x27B0] =	vst v59  }
0xa3: {  	v62 =	vmul.f32 s5, v56;
	[tilespmem:$0x27C0] =	vst v60  }
0xa4: {  	[tilespmem:$0x27D0] =	vst v61;
	v63 =	vmul.f32 s5, v58  }
0xa5: {  	[tilespmem:$0x27E0] =	vst v62  }
0xa6: {  	s30 =	simm.s32 $0x200;
	s31 =	simm.s32 $0x2400;
	[tilespmem:$0x27F0] =	vst v63  }
0xa7: {  	[hbm4b:s2+s25] =	stream.strided.scatter [tilespmem:s31], [sflag:$0x1], $0x400, s30, s25, $0x38;
	[tilespmem:$0x2800] =	vst v63  }
0xa8: {  	_ =	swait.ge [sflag:s29], $0x400  }
0xa9: {  	[sflag:s29] =	ssyncset.done $0x0  }
0xaa: {  	[sflag:s29] =	ssyncadd.s32 $0xFFFFFC00  }
.LBB2_4:
0xab: {  	_ =	sfence.sel $0x180000  }
0xac: {  	[bflag:$0x0] =	sbarrier.arrive $0xFFFF  }
0xad: {  	p0 =	sne.s32 s1, $0x0;
	_ =	strace $0x90000047  }
0xae: {  	s0 =	sadd.s32 @!p0 $0x100000, s0;
	[bflag:$0x2] =	sbarrier.arrive $0xFFFF  }
0xaf: {  	[sflag:s0] =	ssyncadd.tile.s32 @!p0 $0x1;
	_ =	shalt  }
.Lfunc_end2:
_tile_overlayer_lowered:
.L_overlay_start_2:
0xb0: {  	(tag) =	ssettag $0x2  }
0xb1: {  	s0 =	rddreg [dreg:$0x0];
	s2 =	stileid.u32  }
0xb2: {  	s1 =	rddreg [dreg:$0x1];
	p0 =	sne.s32 s2, $0x0  }
0xb3: {  	s3 =	rddreg [dreg:$0x2];
	[bflag:$0x3] =	sbarrier.arrive $0xFFFF;
	s2 =	simm.s32 @!p0 $0x1C01  }
0xb4: {  	[timem:s3], [sflag:s2] =	dma.local @!p0 [hbm:s0], s1  }
0xb5: {  	s0 =	simm.s32 @!p0 $0x1  }
0xb6: {  	_ =	swait.ge @!p0 [sflag:s0], s1  }
0xb7: {  	s1 =	ssub.s32 @!p0 $0x0, s1;
	[sflag:s0] =	ssyncset.done @!p0 $0x0  }
0xb8: {  	[sflag:s0] =	ssyncadd.s32 @!p0 s1  }
0xb9: {  	[bflag:$0x3] =	sbarrier.arrive $0xFFFF  }
0xba: {  	_ =	shalt  }

</sc_bundles>
